<compile_context>
chip_gen: v7x
topology: tpu7x:2x2x1
jax: 0.10.2.dev20260603
libtpu: 0.0.44.dev20260713+nightly
codegen_flags: <defaults>
</compile_context>

<pallas_src>
import functools

import jax
import jax.numpy as jnp
from jax import lax
from jax.experimental import pallas as pl
from jax.experimental.pallas import tpu as pltpu
from jax.experimental.pallas import tpu_sc as plsc

N_NODES = 100000
N_EDGES = 6400000
N_GRAPHS = 8

_INFO = plsc.get_sparse_core_info()
NC = _INFO.num_cores
NS = _INFO.num_subcores
NW = NC * NS
CE = 2048
NBLK = CE // 128
TOTCHUNKS = N_EDGES // CE
MAXCHUNKS = -(-TOTCHUNKS // NW)
SUB = 128
NSUB = CE // SUB
BSC = 20000
NBCHUNKS = N_NODES // BSC

_mesh = plsc.VectorSubcoreMesh(core_axis_name="c", subcore_axis_name="s")


@functools.partial(
    pl.kernel,
    mesh=_mesh,
    compiler_params=pltpu.CompilerParams(
        needs_layout_passes=False, use_tc_tiling_on_sc=False),
    out_type=(
        jax.ShapeDtypeStruct((N_EDGES * 4,), jnp.float32),
        jax.ShapeDtypeStruct((NW, 16), jnp.int32),
    ),
    scratch_types=[
        pltpu.VMEM((CE,), jnp.int32),
        pltpu.VMEM((CE,), jnp.int32),
        pltpu.VMEM((CE,), jnp.int32),
        pltpu.VMEM((CE,), jnp.int32),
        pltpu.VMEM((CE, 8), jnp.float32),
        pltpu.VMEM((CE, 8), jnp.float32),
        pltpu.VMEM((CE, 8), jnp.float32),
        pltpu.VMEM((CE, 8), jnp.float32),
        pltpu.VMEM((CE * 4,), jnp.float32),
        pltpu.VMEM((CE * 4,), jnp.float32),
        pltpu.VMEM((BSC,), jnp.int32),
        pltpu.VMEM((16,), jnp.int32),
        pltpu.SemaphoreType.DMA,
        pltpu.SemaphoreType.DMA,
        pltpu.SemaphoreType.DMA,
        pltpu.SemaphoreType.DMA,
    ],
)
def _sc_body(pos8, eflat, batch, out, partials,
             jv0, iv0, jv1, iv1, rowsj0, rowsi0, rowsj1, rowsi1,
             outb0, outb1, bbuf, nbv, sem0, sem1, semw0, semw1):
    cid = lax.axis_index("c")
    sid = lax.axis_index("s")
    wid = sid * NC + cid
    lane = lax.iota(jnp.int32, 16)

    def dyn_gather(v, idx):
        return lax.gather(
            v, idx[:, None],
            dimension_numbers=lax.GatherDimensionNumbers(
                offset_dims=(), collapsed_slice_dims=(0,),
                start_index_map=(0,)),
            slice_sizes=(1,),
            mode=lax.GatherScatterMode.PROMISE_IN_BOUNDS)

    def lane_sum(v):
        for sh in (8, 4, 2, 1):
            v = v + dyn_gather(v, lane ^ sh)
        return v

    zero16 = jnp.zeros((16,), jnp.int32)
    c0 = jnp.full((16,), 0, jnp.int32)
    c1 = jnp.full((16,), 1, jnp.int32)
    c2 = jnp.full((16,), 2, jnp.int32)

    def bscan(b, accs):
        pltpu.sync_copy(batch.at[pl.ds(b * BSC, BSC)], bbuf)

        def binner(t, accs):
            bv = bbuf[pl.ds(t * 16, 16)]
            return tuple(
                a + jnp.where(bv >= (g + 1), 1, 0) for g, a in enumerate(accs)
            )

        return lax.fori_loop(0, BSC // 16, binner, accs)

    accs = lax.fori_loop(0, NBCHUNKS, bscan, (zero16,) * 7)
    bounds = [N_NODES - lane_sum(a) for a in accs]

    def fire_chunk(m, jvb, ivb, rjb, rib, semg):
        base = m * CE
        pltpu.sync_copy(eflat.at[pl.ds(base, CE)], jvb)
        pltpu.sync_copy(eflat.at[pl.ds(N_EDGES + base, CE)], ivb)

        def gsub(s, carry):
            o = s * SUB
            pltpu.async_copy(
                pos8.at[jvb.at[pl.ds(o, SUB)]], rjb.at[pl.ds(o, SUB)], semg)
            pltpu.async_copy(
                pos8.at[ivb.at[pl.ds(o, SUB)]], rib.at[pl.ds(o, SUB)], semg)
            return carry
        lax.fori_loop(0, NSUB, gsub, 0)

    def proc_chunk(m, ivb, rjb, rib, outbb, semg, semw, first, cnts):
        base = m * CE
        pltpu.make_async_copy(pos8.at[pl.ds(0, CE)], rjb, semg).wait()
        pltpu.make_async_copy(pos8.at[pl.ds(0, CE)], rib, semg).wait()

        @pl.when(jnp.logical_not(first))
        def _():
            pltpu.make_async_copy(
                outbb, out.at[pl.ds(0, CE * 4)], semw).wait()

        def einner(t, cnts):
            ev = t * 16 + lane
            xj = plsc.load_gather(rjb, [ev, c0])
            yj = plsc.load_gather(rjb, [ev, c1])
            zj = plsc.load_gather(rjb, [ev, c2])
            xi = plsc.load_gather(rib, [ev, c0])
            yi = plsc.load_gather(rib, [ev, c1])
            zi = plsc.load_gather(rib, [ev, c2])
            dx = xj - xi
            dy = yj - yi
            dz = zj - zi
            ss = dx * dx + dy * dy + dz * dz + 1e-12
            y = plsc.bitcast(
                0x5F3759DF - (plsc.bitcast(ss, jnp.int32) >> 1), jnp.float32
            )
            h = ss * 0.5
            y = y * (1.5 - h * y * y)
            y = y * (1.5 - h * y * y)
            y = y * (1.5 - h * y * y)
            nrm = ss * y
            b = t // 8
            u = t - b * 8
            o0 = b * 512 + u * 16
            outbb[pl.ds(o0, 16)] = dx
            outbb[pl.ds(o0 + 128, 16)] = dy
            outbb[pl.ds(o0 + 256, 16)] = dz
            outbb[pl.ds(o0 + 384, 16)] = nrm
            ivals = ivb[pl.ds(t * 16, 16)]
            return tuple(
                cn + jnp.where(ivals >= bounds[g], 1, 0)
                for g, cn in enumerate(cnts)
            )

        cnts = lax.fori_loop(0, CE // 16, einner, cnts)
        pltpu.async_copy(outbb, out.at[pl.ds(base * 4, CE * 4)], semw)
        return cnts

    fire_chunk(wid, jv0, iv0, rowsj0, rowsi0, sem0)

    def pair(p, cnts):
        m0 = (2 * p) * NW + wid
        m1 = m0 + NW
        m2 = m1 + NW

        @pl.when(m1 < TOTCHUNKS)
        def _():
            fire_chunk(m1, jv1, iv1, rowsj1, rowsi1, sem1)

        cnts = lax.cond(
            m0 < TOTCHUNKS,
            lambda c: proc_chunk(m0, iv0, rowsj0, rowsi0, outb0, sem0,
                                 semw0, m0 < NW, c),
            lambda c: c, cnts)

        @pl.when(m2 < TOTCHUNKS)
        def _():
            fire_chunk(m2, jv0, iv0, rowsj0, rowsi0, sem0)

        cnts = lax.cond(
            m1 < TOTCHUNKS,
            lambda c: proc_chunk(m1, iv1, rowsj1, rowsi1, outb1, sem1,
                                 semw1, m1 < 2 * NW, c),
            lambda c: c, cnts)
        return cnts

    cnts = lax.fori_loop(0, MAXCHUNKS // 2, pair, (zero16,) * 7)

    pltpu.make_async_copy(outb0, out.at[pl.ds(0, CE * 4)], semw0).wait()
    pltpu.make_async_copy(outb1, out.at[pl.ds(0, CE * 4)], semw1).wait()

    cge = [lane_sum(cn) for cn in cnts] + [zero16]
    nb = jnp.zeros((16,), jnp.int32)
    for g in range(N_GRAPHS - 1, 0, -1):
        nb = nb + jnp.where(lane == g, cge[g - 1] - cge[g], 0)
    owned_full = (TOTCHUNKS // NW) * CE
    extra = jnp.where(wid < (TOTCHUNKS % NW), CE, 0)
    owned = jnp.full((16,), owned_full, jnp.int32) + extra
    nb = nb + jnp.where(lane == 0, owned - cge[0], 0)
    nbv[...] = nb
    pltpu.sync_copy(nbv, partials.at[wid])


def kernel(pos, edge_index, batch):
    pos8 = jnp.pad(pos, ((0, 0), (0, 5)))
    eflat = edge_index.reshape(2 * N_EDGES)
    flat, partials = _sc_body(pos8, eflat, batch)
    out = flat.reshape(N_EDGES // 128, 4, 128).transpose(0, 2, 1).reshape(
        N_EDGES, 4)
    neighbors = jnp.sum(partials, axis=0)[:N_GRAPHS].astype(jnp.int32)
    zeros = jnp.zeros((N_EDGES, 3), pos.dtype)
    return (out, zeros, zeros, neighbors)

# --- scband reference (transcript-rebuilt; emitter-appended) ---
"""Pipeline reference for scband-base-model-47330539601929 (READ-ONLY COPY).

The authoritative reference and input builder live on the scoring server;
editing this copy changes nothing except your own understanding.
"""

import jax, jax.numpy as jnp
import numpy as np

N_NODES = 100000
N_EDGES = 6400000
N_GRAPHS = 8


def setup_inputs(seed: int = 0) -> dict:
    key = jax.random.key(seed)
    k1, k2, k3 = jax.random.split(key, 3)
    pos = jax.random.normal(k1, (N_NODES, 3), dtype=jnp.float32) * 5.0
    edge_index = jax.random.randint(k2, (2, N_EDGES), 0, N_NODES, dtype=jnp.int32)
    batch = jnp.sort(jax.random.randint(k3, (N_NODES,), 0, N_GRAPHS, dtype=jnp.int32))
    return {"pos": pos, "edge_index": edge_index, "batch": batch}


def reference(pos, edge_index, batch):
    # Faithful jax translation of BaseModel.generate_graph non-PBC / otf branch:
    #   j, i = edge_index
    #   distance_vec = pos[j] - pos[i]
    #   edge_dist = distance_vec.norm(dim=-1)
    #   cell_offsets = zeros(E, 3); cell_offset_distances = zeros_like
    #   neighbors = compute_neighbors(data, edge_index)  # edges per graph
    j = edge_index[0]
    i = edge_index[1]
    distance_vec = jnp.take(pos, j, axis=0) - jnp.take(pos, i, axis=0)
    edge_dist = jnp.sqrt(jnp.sum(distance_vec * distance_vec, axis=-1) + 1e-12)
    E = edge_index.shape[1]
    cell_offsets = jnp.zeros((E, 3), dtype=pos.dtype)
    cell_offset_distances = jnp.zeros((E, 3), dtype=pos.dtype)
    # compute_neighbors: number of edges whose destination node belongs to each graph
    edge_graph = jnp.take(batch, i, axis=0)
    neighbors = jax.ops.segment_sum(jnp.ones((E,), dtype=jnp.int32), edge_graph, num_segments=N_GRAPHS)
    out = jnp.concatenate([distance_vec, edge_dist[:, None]], axis=-1)
    return (out, cell_offsets, cell_offset_distances, neighbors)

if __name__ == "__main__":
    import jax
    _d = setup_inputs()
    print(jax.jit(kernel)(*tuple(_d.values())))

</pallas_src>

<mosaic_0001>
#map = affine_map<(d0, d1) -> (0, 0)>
#map1 = affine_map<(d0, d1) -> (0)>
module attributes {stable_mosaic.version = 14 : i64} {
  func.func @_sc_body(%arg0: i32, %arg1: i32, %arg2: memref<100000x8xf32, #tpu.memory_space<hbm>>, %arg3: memref<12800000xi32, #tpu.memory_space<hbm>>, %arg4: memref<100000xi32, #tpu.memory_space<hbm>>, %arg5: memref<25600000xf32, #tpu.memory_space<hbm>>, %arg6: memref<32x16xi32, #tpu.memory_space<hbm>>, %arg7: memref<2048xi32, #tpu.memory_space<vmem>>, %arg8: memref<2048xi32, #tpu.memory_space<vmem>>, %arg9: memref<2048xi32, #tpu.memory_space<vmem>>, %arg10: memref<2048xi32, #tpu.memory_space<vmem>>, %arg11: memref<2048x8xf32, #tpu.memory_space<vmem>>, %arg12: memref<2048x8xf32, #tpu.memory_space<vmem>>, %arg13: memref<2048x8xf32, #tpu.memory_space<vmem>>, %arg14: memref<2048x8xf32, #tpu.memory_space<vmem>>, %arg15: memref<8192xf32, #tpu.memory_space<vmem>>, %arg16: memref<8192xf32, #tpu.memory_space<vmem>>, %arg17: memref<20000xi32, #tpu.memory_space<vmem>>, %arg18: memref<16xi32, #tpu.memory_space<vmem>>, %arg19: memref<!tpu.dma_semaphore, #tpu.memory_space<semaphore_mem>>, %arg20: memref<!tpu.dma_semaphore, #tpu.memory_space<semaphore_mem>>, %arg21: memref<!tpu.dma_semaphore, #tpu.memory_space<semaphore_mem>>, %arg22: memref<!tpu.dma_semaphore, #tpu.memory_space<semaphore_mem>>) attributes {dimension_semantics = [#tpu.dimension_semantics<core_parallel>, #tpu.dimension_semantics<subcore_parallel>], iteration_bounds = array<i64: 2, 16>, scalar_prefetch = 0 : i64, scratch_operands = 16 : i64, tpu.core_type = #tpu.core_type<sc_vector_subcore>, window_params = [{transform_indices = #map}, {transform_indices = #map1}, {transform_indices = #map1}, {transform_indices = #map1}, {transform_indices = #map}]} {
    %mul3A = arith.constant 2 : i32
    %mul3A_0 = arith.muli %arg1, %mul3A : i32
    %add3A = arith.addi %mul3A_0, %arg0 : i32
    %iota3A = tpu.iota {dimensions = array<i32: 0>} : vector<16xi32>
    %broadcast_in_dim3A = arith.constant 0 : i32
    %broadcast_in_dim3A_1 = vector.broadcast %broadcast_in_dim3A : i32 to vector<16xi32>
    %broadcast_in_dim3A_2 = arith.constant 0 : i32
    %broadcast_in_dim3A_3 = vector.broadcast %broadcast_in_dim3A_2 : i32 to vector<16xi32>
    %broadcast_in_dim3A_4 = arith.constant 1 : i32
    %broadcast_in_dim3A_5 = vector.broadcast %broadcast_in_dim3A_4 : i32 to vector<16xi32>
    %broadcast_in_dim3A_6 = arith.constant 2 : i32
    %broadcast_in_dim3A_7 = vector.broadcast %broadcast_in_dim3A_6 : i32 to vector<16xi32>
    %scan3A = arith.constant 0 : i32
    %scan3A_8 = arith.constant 5 : i32
    %scan3A_9 = arith.addi %scan3A, %scan3A_8 : i32
    %scan3A_10 = arith.constant 1 : i32
    %scan3A_11:7 = scf.for %scan3A_518 = %scan3A to %scan3A_9 step %scan3A_10 iter_args(%scan3A_519 = %broadcast_in_dim3A_1, %scan3A_520 = %broadcast_in_dim3A_1, %scan3A_521 = %broadcast_in_dim3A_1, %scan3A_522 = %broadcast_in_dim3A_1, %scan3A_523 = %broadcast_in_dim3A_1, %scan3A_524 = %broadcast_in_dim3A_1, %scan3A_525 = %broadcast_in_dim3A_1) -> (vector<16xi32>, vector<16xi32>, vector<16xi32>, vector<16xi32>, vector<16xi32>, vector<16xi32>, vector<16xi32>)  : i32 {
      %mul3A_526 = arith.constant 20000 : i32
      %mul3A_527 = arith.muli %scan3A_518, %mul3A_526 : i32
      "tpu.region"() ({
        %run_scoped3A = tpu.sem_alloc : memref<!tpu.dma_semaphore, #tpu.memory_space<semaphore_mem>>
        %dma_start3A = tpu.memref_slice %arg4[%mul3A_527] : memref<100000xi32, #tpu.memory_space<hbm>> -> memref<20000xi32, #tpu.memory_space<hbm>>
        %dma_start3A_534 = tpu.memref_slice %arg4[%mul3A_527] : memref<100000xi32, #tpu.memory_space<hbm>> -> memref<20000xi32, #tpu.memory_space<hbm>>
        tpu.enqueue_dma source(%dma_start3A_534 : memref<20000xi32, #tpu.memory_space<hbm>>) target(%arg17 : memref<20000xi32, #tpu.memory_space<vmem>>) target_semaphore(%run_scoped3A : memref<!tpu.dma_semaphore, #tpu.memory_space<semaphore_mem>>)
        %dma_wait3A_535 = tpu.memref_slice %arg4[%mul3A_527] : memref<100000xi32, #tpu.memory_space<hbm>> -> memref<20000xi32, #tpu.memory_space<hbm>>
        %dma_wait3A_536 = tpu.memref_slice %arg4[%mul3A_527] : memref<100000xi32, #tpu.memory_space<hbm>> -> memref<20000xi32, #tpu.memory_space<hbm>>
        tpu.wait_dma2 semaphore(%run_scoped3A : memref<!tpu.dma_semaphore, #tpu.memory_space<semaphore_mem>>) src(%dma_wait3A_536 : memref<20000xi32, #tpu.memory_space<hbm>>) dst(%arg17 : memref<20000xi32, #tpu.memory_space<vmem>>)
        tpu.yield
      }) : () -> ()
      %scan3A_528 = arith.constant 0 : i32
      %scan3A_529 = arith.constant 1250 : i32
      %scan3A_530 = arith.addi %scan3A_528, %scan3A_529 : i32
      %scan3A_531 = arith.constant 1 : i32
      %scan3A_532:7 = scf.for %scan3A_534 = %scan3A_528 to %scan3A_530 step %scan3A_531 iter_args(%scan3A_535 = %scan3A_519, %scan3A_536 = %scan3A_520, %scan3A_537 = %scan3A_521, %scan3A_538 = %scan3A_522, %scan3A_539 = %scan3A_523, %scan3A_540 = %scan3A_524, %scan3A_541 = %scan3A_525) -> (vector<16xi32>, vector<16xi32>, vector<16xi32>, vector<16xi32>, vector<16xi32>, vector<16xi32>, vector<16xi32>)  : i32 {
        %mul3A_542 = arith.constant 16 : i32
        %mul3A_543 = arith.muli %scan3A_534, %mul3A_542 : i32
        %get3A = arith.index_cast %mul3A_543 : i32 to index
        %get3A_544 = tpu.vector_load %arg17[%get3A] {strides = array<i32>} : memref<20000xi32, #tpu.memory_space<vmem>>, vector<16xi32>,
        %ge3A = arith.constant 1 : i32
        %ge3A_545 = vector.broadcast %ge3A : i32 to vector<16xi32>
        %ge3A_546 = arith.cmpi sge, %get3A_544, %ge3A_545 : vector<16xi32>
        %jit3A_547 = arith.constant 1 : i32
        %jit3A_548 = arith.constant 0 : i32
        %broadcast_in_dim3A_549 = vector.broadcast %jit3A_547 : i32 to vector<16xi32>
        %broadcast_in_dim3A_550 = vector.broadcast %jit3A_548 : i32 to vector<16xi32>
        %select_n3A_551 = arith.select %ge3A_546, %broadcast_in_dim3A_549, %broadcast_in_dim3A_550 : vector<16xi1>, vector<16xi32>
        %add3A_552 = arith.addi %scan3A_535, %select_n3A_551 : vector<16xi32>
        %ge3A_553 = arith.constant 2 : i32
        %ge3A_554 = vector.broadcast %ge3A_553 : i32 to vector<16xi32>
        %ge3A_555 = arith.cmpi sge, %get3A_544, %ge3A_554 : vector<16xi32>
        %jit3A_556 = arith.constant 1 : i32
        %jit3A_557 = arith.constant 0 : i32
        %broadcast_in_dim3A_558 = vector.broadcast %jit3A_556 : i32 to vector<16xi32>
        %broadcast_in_dim3A_559 = vector.broadcast %jit3A_557 : i32 to vector<16xi32>
        %select_n3A_560 = arith.select %ge3A_555, %broadcast_in_dim3A_558, %broadcast_in_dim3A_559 : vector<16xi1>, vector<16xi32>
        %add3A_561 = arith.addi %scan3A_536, %select_n3A_560 : vector<16xi32>
        %ge3A_562 = arith.constant 3 : i32
        %ge3A_563 = vector.broadcast %ge3A_562 : i32 to vector<16xi32>
        %ge3A_564 = arith.cmpi sge, %get3A_544, %ge3A_563 : vector<16xi32>
        %jit3A_565 = arith.constant 1 : i32
        %jit3A_566 = arith.constant 0 : i32
        %broadcast_in_dim3A_567 = vector.broadcast %jit3A_565 : i32 to vector<16xi32>
        %broadcast_in_dim3A_568 = vector.broadcast %jit3A_566 : i32 to vector<16xi32>
        %select_n3A_569 = arith.select %ge3A_564, %broadcast_in_dim3A_567, %broadcast_in_dim3A_568 : vector<16xi1>, vector<16xi32>
        %add3A_570 = arith.addi %scan3A_537, %select_n3A_569 : vector<16xi32>
        %ge3A_571 = arith.constant 4 : i32
        %ge3A_572 = vector.broadcast %ge3A_571 : i32 to vector<16xi32>
        %ge3A_573 = arith.cmpi sge, %get3A_544, %ge3A_572 : vector<16xi32>
        %jit3A_574 = arith.constant 1 : i32
        %jit3A_575 = arith.constant 0 : i32
        %broadcast_in_dim3A_576 = vector.broadcast %jit3A_574 : i32 to vector<16xi32>
        %broadcast_in_dim3A_577 = vector.broadcast %jit3A_575 : i32 to vector<16xi32>
        %select_n3A_578 = arith.select %ge3A_573, %broadcast_in_dim3A_576, %broadcast_in_dim3A_577 : vector<16xi1>, vector<16xi32>
        %add3A_579 = arith.addi %scan3A_538, %select_n3A_578 : vector<16xi32>
        %ge3A_580 = arith.constant 5 : i32
        %ge3A_581 = vector.broadcast %ge3A_580 : i32 to vector<16xi32>
        %ge3A_582 = arith.cmpi sge, %get3A_544, %ge3A_581 : vector<16xi32>
        %jit3A_583 = arith.constant 1 : i32
        %jit3A_584 = arith.constant 0 : i32
        %broadcast_in_dim3A_585 = vector.broadcast %jit3A_583 : i32 to vector<16xi32>
        %broadcast_in_dim3A_586 = vector.broadcast %jit3A_584 : i32 to vector<16xi32>
        %select_n3A_587 = arith.select %ge3A_582, %broadcast_in_dim3A_585, %broadcast_in_dim3A_586 : vector<16xi1>, vector<16xi32>
        %add3A_588 = arith.addi %scan3A_539, %select_n3A_587 : vector<16xi32>
        %ge3A_589 = arith.constant 6 : i32
        %ge3A_590 = vector.broadcast %ge3A_589 : i32 to vector<16xi32>
        %ge3A_591 = arith.cmpi sge, %get3A_544, %ge3A_590 : vector<16xi32>
        %jit3A_592 = arith.constant 1 : i32
        %jit3A_593 = arith.constant 0 : i32
        %broadcast_in_dim3A_594 = vector.broadcast %jit3A_592 : i32 to vector<16xi32>
        %broadcast_in_dim3A_595 = vector.broadcast %jit3A_593 : i32 to vector<16xi32>
        %select_n3A_596 = arith.select %ge3A_591, %broadcast_in_dim3A_594, %broadcast_in_dim3A_595 : vector<16xi1>, vector<16xi32>
        %add3A_597 = arith.addi %scan3A_540, %select_n3A_596 : vector<16xi32>
        %ge3A_598 = arith.constant 7 : i32
        %ge3A_599 = vector.broadcast %ge3A_598 : i32 to vector<16xi32>
        %ge3A_600 = arith.cmpi sge, %get3A_544, %ge3A_599 : vector<16xi32>
        %jit3A_601 = arith.constant 1 : i32
        %jit3A_602 = arith.constant 0 : i32
        %broadcast_in_dim3A_603 = vector.broadcast %jit3A_601 : i32 to vector<16xi32>
        %broadcast_in_dim3A_604 = vector.broadcast %jit3A_602 : i32 to vector<16xi32>
        %select_n3A_605 = arith.select %ge3A_600, %broadcast_in_dim3A_603, %broadcast_in_dim3A_604 : vector<16xi1>, vector<16xi32>
        %add3A_606 = arith.addi %scan3A_541, %select_n3A_605 : vector<16xi32>
        scf.yield %add3A_552, %add3A_561, %add3A_570, %add3A_579, %add3A_588, %add3A_597, %add3A_606 : vector<16xi32>, vector<16xi32>, vector<16xi32>, vector<16xi32>, vector<16xi32>, vector<16xi32>, vector<16xi32>
      }
      %scan3A_533 = arith.constant 1250 : i32
      scf.yield %scan3A_532#0, %scan3A_532#1, %scan3A_532#2, %scan3A_532#3, %scan3A_532#4, %scan3A_532#5, %scan3A_532#6 : vector<16xi32>, vector<16xi32>, vector<16xi32>, vector<16xi32>, vector<16xi32>, vector<16xi32>, vector<16xi32>
    }
    %scan3A_12 = arith.constant 5 : i32
    %xor3A = arith.constant 8 : i32
    %xor3A_13 = vector.broadcast %xor3A : i32 to vector<16xi32>
    %xor3A_14 = arith.xori %iota3A, %xor3A_13 : vector<16xi32>
    %broadcast_in_dim3A_15 = vector.shape_cast %xor3A_14 : vector<16xi32> to vector<16x1xi32>
    %gather3A = vector.shape_cast %broadcast_in_dim3A_15 : vector<16x1xi32> to vector<16xi32>
    %gather3A_16 = tpu.dynamic_gather %scan3A_11#0[%gather3A] in [0] : vector<16xi32>, vector<16xi32> -> vector<16xi32>
    %add3A_17 = arith.addi %scan3A_11#0, %gather3A_16 : vector<16xi32>
    %xor3A_18 = arith.constant 4 : i32
    %xor3A_19 = vector.broadcast %xor3A_18 : i32 to vector<16xi32>
    %xor3A_20 = arith.xori %iota3A, %xor3A_19 : vector<16xi32>
    %broadcast_in_dim3A_21 = vector.shape_cast %xor3A_20 : vector<16xi32> to vector<16x1xi32>
    %gather3A_22 = vector.shape_cast %broadcast_in_dim3A_21 : vector<16x1xi32> to vector<16xi32>
    %gather3A_23 = tpu.dynamic_gather %add3A_17[%gather3A_22] in [0] : vector<16xi32>, vector<16xi32> -> vector<16xi32>
    %add3A_24 = arith.addi %add3A_17, %gather3A_23 : vector<16xi32>
    %xor3A_25 = arith.constant 2 : i32
    %xor3A_26 = vector.broadcast %xor3A_25 : i32 to vector<16xi32>
    %xor3A_27 = arith.xori %iota3A, %xor3A_26 : vector<16xi32>
    %broadcast_in_dim3A_28 = vector.shape_cast %xor3A_27 : vector<16xi32> to vector<16x1xi32>
    %gather3A_29 = vector.shape_cast %broadcast_in_dim3A_28 : vector<16x1xi32> to vector<16xi32>
    %gather3A_30 = tpu.dynamic_gather %add3A_24[%gather3A_29] in [0] : vector<16xi32>, vector<16xi32> -> vector<16xi32>
    %add3A_31 = arith.addi %add3A_24, %gather3A_30 : vector<16xi32>
    %xor3A_32 = arith.constant 1 : i32
    %xor3A_33 = vector.broadcast %xor3A_32 : i32 to vector<16xi32>
    %xor3A_34 = arith.xori %iota3A, %xor3A_33 : vector<16xi32>
    %broadcast_in_dim3A_35 = vector.shape_cast %xor3A_34 : vector<16xi32> to vector<16x1xi32>
    %gather3A_36 = vector.shape_cast %broadcast_in_dim3A_35 : vector<16x1xi32> to vector<16xi32>
    %gather3A_37 = tpu.dynamic_gather %add3A_31[%gather3A_36] in [0] : vector<16xi32>, vector<16xi32> -> vector<16xi32>
    %add3A_38 = arith.addi %add3A_31, %gather3A_37 : vector<16xi32>
    %sub3A = arith.constant 100000 : i32
    %sub3A_39 = vector.broadcast %sub3A : i32 to vector<16xi32>
    %sub3A_40 = arith.subi %sub3A_39, %add3A_38 : vector<16xi32>
    %xor3A_41 = arith.constant 8 : i32
    %xor3A_42 = vector.broadcast %xor3A_41 : i32 to vector<16xi32>
    %xor3A_43 = arith.xori %iota3A, %xor3A_42 : vector<16xi32>
    %broadcast_in_dim3A_44 = vector.shape_cast %xor3A_43 : vector<16xi32> to vector<16x1xi32>
    %gather3A_45 = vector.shape_cast %broadcast_in_dim3A_44 : vector<16x1xi32> to vector<16xi32>
    %gather3A_46 = tpu.dynamic_gather %scan3A_11#1[%gather3A_45] in [0] : vector<16xi32>, vector<16xi32> -> vector<16xi32>
    %add3A_47 = arith.addi %scan3A_11#1, %gather3A_46 : vector<16xi32>
    %xor3A_48 = arith.constant 4 : i32
    %xor3A_49 = vector.broadcast %xor3A_48 : i32 to vector<16xi32>
    %xor3A_50 = arith.xori %iota3A, %xor3A_49 : vector<16xi32>
    %broadcast_in_dim3A_51 = vector.shape_cast %xor3A_50 : vector<16xi32> to vector<16x1xi32>
    %gather3A_52 = vector.shape_cast %broadcast_in_dim3A_51 : vector<16x1xi32> to vector<16xi32>
    %gather3A_53 = tpu.dynamic_gather %add3A_47[%gather3A_52] in [0] : vector<16xi32>, vector<16xi32> -> vector<16xi32>
    %add3A_54 = arith.addi %add3A_47, %gather3A_53 : vector<16xi32>
    %xor3A_55 = arith.constant 2 : i32
    %xor3A_56 = vector.broadcast %xor3A_55 : i32 to vector<16xi32>
    %xor3A_57 = arith.xori %iota3A, %xor3A_56 : vector<16xi32>
    %broadcast_in_dim3A_58 = vector.shape_cast %xor3A_57 : vector<16xi32> to vector<16x1xi32>
    %gather3A_59 = vector.shape_cast %broadcast_in_dim3A_58 : vector<16x1xi32> to vector<16xi32>
    %gather3A_60 = tpu.dynamic_gather %add3A_54[%gather3A_59] in [0] : vector<16xi32>, vector<16xi32> -> vector<16xi32>
    %add3A_61 = arith.addi %add3A_54, %gather3A_60 : vector<16xi32>
    %xor3A_62 = arith.constant 1 : i32
    %xor3A_63 = vector.broadcast %xor3A_62 : i32 to vector<16xi32>
    %xor3A_64 = arith.xori %iota3A, %xor3A_63 : vector<16xi32>
    %broadcast_in_dim3A_65 = vector.shape_cast %xor3A_64 : vector<16xi32> to vector<16x1xi32>
    %gather3A_66 = vector.shape_cast %broadcast_in_dim3A_65 : vector<16x1xi32> to vector<16xi32>
    %gather3A_67 = tpu.dynamic_gather %add3A_61[%gather3A_66] in [0] : vector<16xi32>, vector<16xi32> -> vector<16xi32>
    %add3A_68 = arith.addi %add3A_61, %gather3A_67 : vector<16xi32>
    %sub3A_69 = arith.constant 100000 : i32
    %sub3A_70 = vector.broadcast %sub3A_69 : i32 to vector<16xi32>
    %sub3A_71 = arith.subi %sub3A_70, %add3A_68 : vector<16xi32>
    %xor3A_72 = arith.constant 8 : i32
    %xor3A_73 = vector.broadcast %xor3A_72 : i32 to vector<16xi32>
    %xor3A_74 = arith.xori %iota3A, %xor3A_73 : vector<16xi32>
    %broadcast_in_dim3A_75 = vector.shape_cast %xor3A_74 : vector<16xi32> to vector<16x1xi32>
    %gather3A_76 = vector.shape_cast %broadcast_in_dim3A_75 : vector<16x1xi32> to vector<16xi32>
    %gather3A_77 = tpu.dynamic_gather %scan3A_11#2[%gather3A_76] in [0] : vector<16xi32>, vector<16xi32> -> vector<16xi32>
    %add3A_78 = arith.addi %scan3A_11#2, %gather3A_77 : vector<16xi32>
    %xor3A_79 = arith.constant 4 : i32
    %xor3A_80 = vector.broadcast %xor3A_79 : i32 to vector<16xi32>
    %xor3A_81 = arith.xori %iota3A, %xor3A_80 : vector<16xi32>
    %broadcast_in_dim3A_82 = vector.shape_cast %xor3A_81 : vector<16xi32> to vector<16x1xi32>
    %gather3A_83 = vector.shape_cast %broadcast_in_dim3A_82 : vector<16x1xi32> to vector<16xi32>
    %gather3A_84 = tpu.dynamic_gather %add3A_78[%gather3A_83] in [0] : vector<16xi32>, vector<16xi32> -> vector<16xi32>
    %add3A_85 = arith.addi %add3A_78, %gather3A_84 : vector<16xi32>
    %xor3A_86 = arith.constant 2 : i32
    %xor3A_87 = vector.broadcast %xor3A_86 : i32 to vector<16xi32>
    %xor3A_88 = arith.xori %iota3A, %xor3A_87 : vector<16xi32>
    %broadcast_in_dim3A_89 = vector.shape_cast %xor3A_88 : vector<16xi32> to vector<16x1xi32>
    %gather3A_90 = vector.shape_cast %broadcast_in_dim3A_89 : vector<16x1xi32> to vector<16xi32>
    %gather3A_91 = tpu.dynamic_gather %add3A_85[%gather3A_90] in [0] : vector<16xi32>, vector<16xi32> -> vector<16xi32>
    %add3A_92 = arith.addi %add3A_85, %gather3A_91 : vector<16xi32>
    %xor3A_93 = arith.constant 1 : i32
    %xor3A_94 = vector.broadcast %xor3A_93 : i32 to vector<16xi32>
    %xor3A_95 = arith.xori %iota3A, %xor3A_94 : vector<16xi32>
    %broadcast_in_dim3A_96 = vector.shape_cast %xor3A_95 : vector<16xi32> to vector<16x1xi32>
    %gather3A_97 = vector.shape_cast %broadcast_in_dim3A_96 : vector<16x1xi32> to vector<16xi32>
    %gather3A_98 = tpu.dynamic_gather %add3A_92[%gather3A_97] in [0] : vector<16xi32>, vector<16xi32> -> vector<16xi32>
    %add3A_99 = arith.addi %add3A_92, %gather3A_98 : vector<16xi32>
    %sub3A_100 = arith.constant 100000 : i32
    %sub3A_101 = vector.broadcast %sub3A_100 : i32 to vector<16xi32>
    %sub3A_102 = arith.subi %sub3A_101, %add3A_99 : vector<16xi32>
    %xor3A_103 = arith.constant 8 : i32
    %xor3A_104 = vector.broadcast %xor3A_103 : i32 to vector<16xi32>
    %xor3A_105 = arith.xori %iota3A, %xor3A_104 : vector<16xi32>
    %broadcast_in_dim3A_106 = vector.shape_cast %xor3A_105 : vector<16xi32> to vector<16x1xi32>
    %gather3A_107 = vector.shape_cast %broadcast_in_dim3A_106 : vector<16x1xi32> to vector<16xi32>
    %gather3A_108 = tpu.dynamic_gather %scan3A_11#3[%gather3A_107] in [0] : vector<16xi32>, vector<16xi32> -> vector<16xi32>
    %add3A_109 = arith.addi %scan3A_11#3, %gather3A_108 : vector<16xi32>
    %xor3A_110 = arith.constant 4 : i32
    %xor3A_111 = vector.broadcast %xor3A_110 : i32 to vector<16xi32>
    %xor3A_112 = arith.xori %iota3A, %xor3A_111 : vector<16xi32>
    %broadcast_in_dim3A_113 = vector.shape_cast %xor3A_112 : vector<16xi32> to vector<16x1xi32>
    %gather3A_114 = vector.shape_cast %broadcast_in_dim3A_113 : vector<16x1xi32> to vector<16xi32>
    %gather3A_115 = tpu.dynamic_gather %add3A_109[%gather3A_114] in [0] : vector<16xi32>, vector<16xi32> -> vector<16xi32>
    %add3A_116 = arith.addi %add3A_109, %gather3A_115 : vector<16xi32>
    %xor3A_117 = arith.constant 2 : i32
    %xor3A_118 = vector.broadcast %xor3A_117 : i32 to vector<16xi32>
    %xor3A_119 = arith.xori %iota3A, %xor3A_118 : vector<16xi32>
    %broadcast_in_dim3A_120 = vector.shape_cast %xor3A_119 : vector<16xi32> to vector<16x1xi32>
    %gather3A_121 = vector.shape_cast %broadcast_in_dim3A_120 : vector<16x1xi32> to vector<16xi32>
    %gather3A_122 = tpu.dynamic_gather %add3A_116[%gather3A_121] in [0] : vector<16xi32>, vector<16xi32> -> vector<16xi32>
    %add3A_123 = arith.addi %add3A_116, %gather3A_122 : vector<16xi32>
    %xor3A_124 = arith.constant 1 : i32
    %xor3A_125 = vector.broadcast %xor3A_124 : i32 to vector<16xi32>
    %xor3A_126 = arith.xori %iota3A, %xor3A_125 : vector<16xi32>
    %broadcast_in_dim3A_127 = vector.shape_cast %xor3A_126 : vector<16xi32> to vector<16x1xi32>
    %gather3A_128 = vector.shape_cast %broadcast_in_dim3A_127 : vector<16x1xi32> to vector<16xi32>
    %gather3A_129 = tpu.dynamic_gather %add3A_123[%gather3A_128] in [0] : vector<16xi32>, vector<16xi32> -> vector<16xi32>
    %add3A_130 = arith.addi %add3A_123, %gather3A_129 : vector<16xi32>
    %sub3A_131 = arith.constant 100000 : i32
    %sub3A_132 = vector.broadcast %sub3A_131 : i32 to vector<16xi32>
    %sub3A_133 = arith.subi %sub3A_132, %add3A_130 : vector<16xi32>
    %xor3A_134 = arith.constant 8 : i32
    %xor3A_135 = vector.broadcast %xor3A_134 : i32 to vector<16xi32>
    %xor3A_136 = arith.xori %iota3A, %xor3A_135 : vector<16xi32>
    %broadcast_in_dim3A_137 = vector.shape_cast %xor3A_136 : vector<16xi32> to vector<16x1xi32>
    %gather3A_138 = vector.shape_cast %broadcast_in_dim3A_137 : vector<16x1xi32> to vector<16xi32>
    %gather3A_139 = tpu.dynamic_gather %scan3A_11#4[%gather3A_138] in [0] : vector<16xi32>, vector<16xi32> -> vector<16xi32>
    %add3A_140 = arith.addi %scan3A_11#4, %gather3A_139 : vector<16xi32>
    %xor3A_141 = arith.constant 4 : i32
    %xor3A_142 = vector.broadcast %xor3A_141 : i32 to vector<16xi32>
    %xor3A_143 = arith.xori %iota3A, %xor3A_142 : vector<16xi32>
    %broadcast_in_dim3A_144 = vector.shape_cast %xor3A_143 : vector<16xi32> to vector<16x1xi32>
    %gather3A_145 = vector.shape_cast %broadcast_in_dim3A_144 : vector<16x1xi32> to vector<16xi32>
    %gather3A_146 = tpu.dynamic_gather %add3A_140[%gather3A_145] in [0] : vector<16xi32>, vector<16xi32> -> vector<16xi32>
    %add3A_147 = arith.addi %add3A_140, %gather3A_146 : vector<16xi32>
    %xor3A_148 = arith.constant 2 : i32
    %xor3A_149 = vector.broadcast %xor3A_148 : i32 to vector<16xi32>
    %xor3A_150 = arith.xori %iota3A, %xor3A_149 : vector<16xi32>
    %broadcast_in_dim3A_151 = vector.shape_cast %xor3A_150 : vector<16xi32> to vector<16x1xi32>
    %gather3A_152 = vector.shape_cast %broadcast_in_dim3A_151 : vector<16x1xi32> to vector<16xi32>
    %gather3A_153 = tpu.dynamic_gather %add3A_147[%gather3A_152] in [0] : vector<16xi32>, vector<16xi32> -> vector<16xi32>
    %add3A_154 = arith.addi %add3A_147, %gather3A_153 : vector<16xi32>
    %xor3A_155 = arith.constant 1 : i32
    %xor3A_156 = vector.broadcast %xor3A_155 : i32 to vector<16xi32>
    %xor3A_157 = arith.xori %iota3A, %xor3A_156 : vector<16xi32>
    %broadcast_in_dim3A_158 = vector.shape_cast %xor3A_157 : vector<16xi32> to vector<16x1xi32>
    %gather3A_159 = vector.shape_cast %broadcast_in_dim3A_158 : vector<16x1xi32> to vector<16xi32>
    %gather3A_160 = tpu.dynamic_gather %add3A_154[%gather3A_159] in [0] : vector<16xi32>, vector<16xi32> -> vector<16xi32>
    %add3A_161 = arith.addi %add3A_154, %gather3A_160 : vector<16xi32>
    %sub3A_162 = arith.constant 100000 : i32
    %sub3A_163 = vector.broadcast %sub3A_162 : i32 to vector<16xi32>
    %sub3A_164 = arith.subi %sub3A_163, %add3A_161 : vector<16xi32>
    %xor3A_165 = arith.constant 8 : i32
    %xor3A_166 = vector.broadcast %xor3A_165 : i32 to vector<16xi32>
    %xor3A_167 = arith.xori %iota3A, %xor3A_166 : vector<16xi32>
    %broadcast_in_dim3A_168 = vector.shape_cast %xor3A_167 : vector<16xi32> to vector<16x1xi32>
    %gather3A_169 = vector.shape_cast %broadcast_in_dim3A_168 : vector<16x1xi32> to vector<16xi32>
    %gather3A_170 = tpu.dynamic_gather %scan3A_11#5[%gather3A_169] in [0] : vector<16xi32>, vector<16xi32> -> vector<16xi32>
    %add3A_171 = arith.addi %scan3A_11#5, %gather3A_170 : vector<16xi32>
    %xor3A_172 = arith.constant 4 : i32
    %xor3A_173 = vector.broadcast %xor3A_172 : i32 to vector<16xi32>
    %xor3A_174 = arith.xori %iota3A, %xor3A_173 : vector<16xi32>
    %broadcast_in_dim3A_175 = vector.shape_cast %xor3A_174 : vector<16xi32> to vector<16x1xi32>
    %gather3A_176 = vector.shape_cast %broadcast_in_dim3A_175 : vector<16x1xi32> to vector<16xi32>
    %gather3A_177 = tpu.dynamic_gather %add3A_171[%gather3A_176] in [0] : vector<16xi32>, vector<16xi32> -> vector<16xi32>
    %add3A_178 = arith.addi %add3A_171, %gather3A_177 : vector<16xi32>
    %xor3A_179 = arith.constant 2 : i32
    %xor3A_180 = vector.broadcast %xor3A_179 : i32 to vector<16xi32>
    %xor3A_181 = arith.xori %iota3A, %xor3A_180 : vector<16xi32>
    %broadcast_in_dim3A_182 = vector.shape_cast %xor3A_181 : vector<16xi32> to vector<16x1xi32>
    %gather3A_183 = vector.shape_cast %broadcast_in_dim3A_182 : vector<16x1xi32> to vector<16xi32>
    %gather3A_184 = tpu.dynamic_gather %add3A_178[%gather3A_183] in [0] : vector<16xi32>, vector<16xi32> -> vector<16xi32>
    %add3A_185 = arith.addi %add3A_178, %gather3A_184 : vector<16xi32>
    %xor3A_186 = arith.constant 1 : i32
    %xor3A_187 = vector.broadcast %xor3A_186 : i32 to vector<16xi32>
    %xor3A_188 = arith.xori %iota3A, %xor3A_187 : vector<16xi32>
    %broadcast_in_dim3A_189 = vector.shape_cast %xor3A_188 : vector<16xi32> to vector<16x1xi32>
    %gather3A_190 = vector.shape_cast %broadcast_in_dim3A_189 : vector<16x1xi32> to vector<16xi32>
    %gather3A_191 = tpu.dynamic_gather %add3A_185[%gather3A_190] in [0] : vector<16xi32>, vector<16xi32> -> vector<16xi32>
    %add3A_192 = arith.addi %add3A_185, %gather3A_191 : vector<16xi32>
    %sub3A_193 = arith.constant 100000 : i32
    %sub3A_194 = vector.broadcast %sub3A_193 : i32 to vector<16xi32>
    %sub3A_195 = arith.subi %sub3A_194, %add3A_192 : vector<16xi32>
    %xor3A_196 = arith.constant 8 : i32
    %xor3A_197 = vector.broadcast %xor3A_196 : i32 to vector<16xi32>
    %xor3A_198 = arith.xori %iota3A, %xor3A_197 : vector<16xi32>
    %broadcast_in_dim3A_199 = vector.shape_cast %xor3A_198 : vector<16xi32> to vector<16x1xi32>
    %gather3A_200 = vector.shape_cast %broadcast_in_dim3A_199 : vector<16x1xi32> to vector<16xi32>
    %gather3A_201 = tpu.dynamic_gather %scan3A_11#6[%gather3A_200] in [0] : vector<16xi32>, vector<16xi32> -> vector<16xi32>
    %add3A_202 = arith.addi %scan3A_11#6, %gather3A_201 : vector<16xi32>
    %xor3A_203 = arith.constant 4 : i32
    %xor3A_204 = vector.broadcast %xor3A_203 : i32 to vector<16xi32>
    %xor3A_205 = arith.xori %iota3A, %xor3A_204 : vector<16xi32>
    %broadcast_in_dim3A_206 = vector.shape_cast %xor3A_205 : vector<16xi32> to vector<16x1xi32>
    %gather3A_207 = vector.shape_cast %broadcast_in_dim3A_206 : vector<16x1xi32> to vector<16xi32>
    %gather3A_208 = tpu.dynamic_gather %add3A_202[%gather3A_207] in [0] : vector<16xi32>, vector<16xi32> -> vector<16xi32>
    %add3A_209 = arith.addi %add3A_202, %gather3A_208 : vector<16xi32>
    %xor3A_210 = arith.constant 2 : i32
    %xor3A_211 = vector.broadcast %xor3A_210 : i32 to vector<16xi32>
    %xor3A_212 = arith.xori %iota3A, %xor3A_211 : vector<16xi32>
    %broadcast_in_dim3A_213 = vector.shape_cast %xor3A_212 : vector<16xi32> to vector<16x1xi32>
    %gather3A_214 = vector.shape_cast %broadcast_in_dim3A_213 : vector<16x1xi32> to vector<16xi32>
    %gather3A_215 = tpu.dynamic_gather %add3A_209[%gather3A_214] in [0] : vector<16xi32>, vector<16xi32> -> vector<16xi32>
    %add3A_216 = arith.addi %add3A_209, %gather3A_215 : vector<16xi32>
    %xor3A_217 = arith.constant 1 : i32
    %xor3A_218 = vector.broadcast %xor3A_217 : i32 to vector<16xi32>
    %xor3A_219 = arith.xori %iota3A, %xor3A_218 : vector<16xi32>
    %broadcast_in_dim3A_220 = vector.shape_cast %xor3A_219 : vector<16xi32> to vector<16x1xi32>
    %gather3A_221 = vector.shape_cast %broadcast_in_dim3A_220 : vector<16x1xi32> to vector<16xi32>
    %gather3A_222 = tpu.dynamic_gather %add3A_216[%gather3A_221] in [0] : vector<16xi32>, vector<16xi32> -> vector<16xi32>
    %add3A_223 = arith.addi %add3A_216, %gather3A_222 : vector<16xi32>
    %sub3A_224 = arith.constant 100000 : i32
    %sub3A_225 = vector.broadcast %sub3A_224 : i32 to vector<16xi32>
    %sub3A_226 = arith.subi %sub3A_225, %add3A_223 : vector<16xi32>
    %mul3A_227 = arith.constant 2048 : i32
    %mul3A_228 = arith.muli %add3A, %mul3A_227 : i32
    "tpu.region"() ({
      %run_scoped3A = tpu.sem_alloc : memref<!tpu.dma_semaphore, #tpu.memory_space<semaphore_mem>>
      %dma_start3A = tpu.memref_slice %arg3[%mul3A_228] : memref<12800000xi32, #tpu.memory_space<hbm>> -> memref<2048xi32, #tpu.memory_space<hbm>>
      %dma_start3A_518 = tpu.memref_slice %arg3[%mul3A_228] : memref<12800000xi32, #tpu.memory_space<hbm>> -> memref<2048xi32, #tpu.memory_space<hbm>>
      tpu.enqueue_dma source(%dma_start3A_518 : memref<2048xi32, #tpu.memory_space<hbm>>) target(%arg7 : memref<2048xi32, #tpu.memory_space<vmem>>) target_semaphore(%run_scoped3A : memref<!tpu.dma_semaphore, #tpu.memory_space<semaphore_mem>>)
      %dma_wait3A_519 = tpu.memref_slice %arg3[%mul3A_228] : memref<12800000xi32, #tpu.memory_space<hbm>> -> memref<2048xi32, #tpu.memory_space<hbm>>
      %dma_wait3A_520 = tpu.memref_slice %arg3[%mul3A_228] : memref<12800000xi32, #tpu.memory_space<hbm>> -> memref<2048xi32, #tpu.memory_space<hbm>>
      tpu.wait_dma2 semaphore(%run_scoped3A : memref<!tpu.dma_semaphore, #tpu.memory_space<semaphore_mem>>) src(%dma_wait3A_520 : memref<2048xi32, #tpu.memory_space<hbm>>) dst(%arg7 : memref<2048xi32, #tpu.memory_space<vmem>>)
      tpu.yield
    }) : () -> ()
    %add3A_229 = arith.constant 6400000 : i32
    %add3A_230 = arith.addi %add3A_229, %mul3A_228 : i32
    "tpu.region"() ({
      %run_scoped3A = tpu.sem_alloc : memref<!tpu.dma_semaphore, #tpu.memory_space<semaphore_mem>>
      %dma_start3A = tpu.memref_slice %arg3[%add3A_230] : memref<12800000xi32, #tpu.memory_space<hbm>> -> memref<2048xi32, #tpu.memory_space<hbm>>
      %dma_start3A_518 = tpu.memref_slice %arg3[%add3A_230] : memref<12800000xi32, #tpu.memory_space<hbm>> -> memref<2048xi32, #tpu.memory_space<hbm>>
      tpu.enqueue_dma source(%dma_start3A_518 : memref<2048xi32, #tpu.memory_space<hbm>>) target(%arg8 : memref<2048xi32, #tpu.memory_space<vmem>>) target_semaphore(%run_scoped3A : memref<!tpu.dma_semaphore, #tpu.memory_space<semaphore_mem>>)
      %dma_wait3A_519 = tpu.memref_slice %arg3[%add3A_230] : memref<12800000xi32, #tpu.memory_space<hbm>> -> memref<2048xi32, #tpu.memory_space<hbm>>
      %dma_wait3A_520 = tpu.memref_slice %arg3[%add3A_230] : memref<12800000xi32, #tpu.memory_space<hbm>> -> memref<2048xi32, #tpu.memory_space<hbm>>
      tpu.wait_dma2 semaphore(%run_scoped3A : memref<!tpu.dma_semaphore, #tpu.memory_space<semaphore_mem>>) src(%dma_wait3A_520 : memref<2048xi32, #tpu.memory_space<hbm>>) dst(%arg8 : memref<2048xi32, #tpu.memory_space<vmem>>)
      tpu.yield
    }) : () -> ()
    %scan3A_231 = arith.constant 0 : i32
    %scan3A_232 = arith.constant 0 : i32
    %scan3A_233 = arith.constant 16 : i32
    %scan3A_234 = arith.addi %scan3A_232, %scan3A_233 : i32
    %scan3A_235 = arith.constant 1 : i32
    scf.for %scan3A_518 = %scan3A_232 to %scan3A_234 step %scan3A_235  : i32 {
      %mul3A_519 = arith.constant 128 : i32
      %mul3A_520 = arith.muli %scan3A_518, %mul3A_519 : i32
      %dma_start3A = arith.constant 0 : i32
      %dma_start3A_521 = tpu.memref_slice %arg11[%mul3A_520, %dma_start3A] : memref<2048x8xf32, #tpu.memory_space<vmem>> -> memref<128x8xf32, #tpu.memory_space<vmem>>
      %dma_start3A_522 = tpu.memref_slice %arg7[%mul3A_520] : memref<2048xi32, #tpu.memory_space<vmem>> -> memref<128xi32, #tpu.memory_space<vmem>>
      %dma_start3A_523 = arith.constant 0 : i32
      %dma_start3A_524 = arith.constant 0 : i32
      %dma_start3A_525 = tpu.memref_slice %arg2[%dma_start3A_523, %dma_start3A_524] : memref<100000x8xf32, #tpu.memory_space<hbm>> -> memref<100000x8xf32, #tpu.memory_space<hbm>>
      tpu.enqueue_indirect_dma source(%dma_start3A_525 : memref<100000x8xf32, #tpu.memory_space<hbm>>) target(%dma_start3A_521 : memref<128x8xf32, #tpu.memory_space<vmem>>) offsets(%dma_start3A_522 : memref<128xi32, #tpu.memory_space<vmem>>) semaphore(%arg19 : memref<!tpu.dma_semaphore, #tpu.memory_space<semaphore_mem>>)
      %dma_start3A_526 = arith.constant 0 : i32
      %dma_start3A_527 = tpu.memref_slice %arg12[%mul3A_520, %dma_start3A_526] : memref<2048x8xf32, #tpu.memory_space<vmem>> -> memref<128x8xf32, #tpu.memory_space<vmem>>
      %dma_start3A_528 = tpu.memref_slice %arg8[%mul3A_520] : memref<2048xi32, #tpu.memory_space<vmem>> -> memref<128xi32, #tpu.memory_space<vmem>>
      %dma_start3A_529 = arith.constant 0 : i32
      %dma_start3A_530 = arith.constant 0 : i32
      %dma_start3A_531 = tpu.memref_slice %arg2[%dma_start3A_529, %dma_start3A_530] : memref<100000x8xf32, #tpu.memory_space<hbm>> -> memref<100000x8xf32, #tpu.memory_space<hbm>>
      tpu.enqueue_indirect_dma source(%dma_start3A_531 : memref<100000x8xf32, #tpu.memory_space<hbm>>) target(%dma_start3A_527 : memref<128x8xf32, #tpu.memory_space<vmem>>) offsets(%dma_start3A_528 : memref<128xi32, #tpu.memory_space<vmem>>) semaphore(%arg19 : memref<!tpu.dma_semaphore, #tpu.memory_space<semaphore_mem>>)
    }
    %scan3A_236 = arith.constant 16 : i32
    %scan3A_237 = arith.constant 0 : i32
    %scan3A_238 = arith.constant 49 : i32
    %scan3A_239 = arith.addi %scan3A_237, %scan3A_238 : i32
    %scan3A_240 = arith.constant 1 : i32
    %scan3A_241:7 = scf.for %scan3A_518 = %scan3A_237 to %scan3A_239 step %scan3A_240 iter_args(%scan3A_519 = %broadcast_in_dim3A_1, %scan3A_520 = %broadcast_in_dim3A_1, %scan3A_521 = %broadcast_in_dim3A_1, %scan3A_522 = %broadcast_in_dim3A_1, %scan3A_523 = %broadcast_in_dim3A_1, %scan3A_524 = %broadcast_in_dim3A_1, %scan3A_525 = %broadcast_in_dim3A_1) -> (vector<16xi32>, vector<16xi32>, vector<16xi32>, vector<16xi32>, vector<16xi32>, vector<16xi32>, vector<16xi32>)  : i32 {
      %mul3A_526 = arith.constant 2 : i32
      %mul3A_527 = arith.muli %mul3A_526, %scan3A_518 : i32
      %mul3A_528 = arith.constant 32 : i32
      %mul3A_529 = arith.muli %mul3A_527, %mul3A_528 : i32
      %add3A_530 = arith.addi %mul3A_529, %add3A : i32
      %add3A_531 = arith.constant 32 : i32
      %add3A_532 = arith.addi %add3A_530, %add3A_531 : i32
      %add3A_533 = arith.constant 32 : i32
      %add3A_534 = arith.addi %add3A_532, %add3A_533 : i32
      %lt3A_535 = arith.constant 3125 : i32
      %lt3A_536 = arith.cmpi slt, %add3A_532, %lt3A_535 : i32
      %convert_element_type3A = arith.extui %lt3A_536 : i1 to i32
      %cond3A = arith.constant 0 : i32
      %cond3A_537 = arith.cmpi ne, %convert_element_type3A, %cond3A : i32
      scf.if %cond3A_537 {
        %mul3A_555 = arith.constant 2048 : i32
        %mul3A_556 = arith.muli %add3A_532, %mul3A_555 : i32
        "tpu.region"() ({
          %run_scoped3A = tpu.sem_alloc : memref<!tpu.dma_semaphore, #tpu.memory_space<semaphore_mem>>
          %dma_start3A = tpu.memref_slice %arg3[%mul3A_556] : memref<12800000xi32, #tpu.memory_space<hbm>> -> memref<2048xi32, #tpu.memory_space<hbm>>
          %dma_start3A_565 = tpu.memref_slice %arg3[%mul3A_556] : memref<12800000xi32, #tpu.memory_space<hbm>> -> memref<2048xi32, #tpu.memory_space<hbm>>
          tpu.enqueue_dma source(%dma_start3A_565 : memref<2048xi32, #tpu.memory_space<hbm>>) target(%arg9 : memref<2048xi32, #tpu.memory_space<vmem>>) target_semaphore(%run_scoped3A : memref<!tpu.dma_semaphore, #tpu.memory_space<semaphore_mem>>)
          %dma_wait3A_566 = tpu.memref_slice %arg3[%mul3A_556] : memref<12800000xi32, #tpu.memory_space<hbm>> -> memref<2048xi32, #tpu.memory_space<hbm>>
          %dma_wait3A_567 = tpu.memref_slice %arg3[%mul3A_556] : memref<12800000xi32, #tpu.memory_space<hbm>> -> memref<2048xi32, #tpu.memory_space<hbm>>
          tpu.wait_dma2 semaphore(%run_scoped3A : memref<!tpu.dma_semaphore, #tpu.memory_space<semaphore_mem>>) src(%dma_wait3A_567 : memref<2048xi32, #tpu.memory_space<hbm>>) dst(%arg9 : memref<2048xi32, #tpu.memory_space<vmem>>)
          tpu.yield
        }) : () -> ()
        %add3A_557 = arith.constant 6400000 : i32
        %add3A_558 = arith.addi %add3A_557, %mul3A_556 : i32
        "tpu.region"() ({
          %run_scoped3A = tpu.sem_alloc : memref<!tpu.dma_semaphore, #tpu.memory_space<semaphore_mem>>
          %dma_start3A = tpu.memref_slice %arg3[%add3A_558] : memref<12800000xi32, #tpu.memory_space<hbm>> -> memref<2048xi32, #tpu.memory_space<hbm>>
          %dma_start3A_565 = tpu.memref_slice %arg3[%add3A_558] : memref<12800000xi32, #tpu.memory_space<hbm>> -> memref<2048xi32, #tpu.memory_space<hbm>>
          tpu.enqueue_dma source(%dma_start3A_565 : memref<2048xi32, #tpu.memory_space<hbm>>) target(%arg10 : memref<2048xi32, #tpu.memory_space<vmem>>) target_semaphore(%run_scoped3A : memref<!tpu.dma_semaphore, #tpu.memory_space<semaphore_mem>>)
          %dma_wait3A_566 = tpu.memref_slice %arg3[%add3A_558] : memref<12800000xi32, #tpu.memory_space<hbm>> -> memref<2048xi32, #tpu.memory_space<hbm>>
          %dma_wait3A_567 = tpu.memref_slice %arg3[%add3A_558] : memref<12800000xi32, #tpu.memory_space<hbm>> -> memref<2048xi32, #tpu.memory_space<hbm>>
          tpu.wait_dma2 semaphore(%run_scoped3A : memref<!tpu.dma_semaphore, #tpu.memory_space<semaphore_mem>>) src(%dma_wait3A_567 : memref<2048xi32, #tpu.memory_space<hbm>>) dst(%arg10 : memref<2048xi32, #tpu.memory_space<vmem>>)
          tpu.yield
        }) : () -> ()
        %scan3A_559 = arith.constant 0 : i32
        %scan3A_560 = arith.constant 0 : i32
        %scan3A_561 = arith.constant 16 : i32
        %scan3A_562 = arith.addi %scan3A_560, %scan3A_561 : i32
        %scan3A_563 = arith.constant 1 : i32
        scf.for %scan3A_565 = %scan3A_560 to %scan3A_562 step %scan3A_563  : i32 {
          %mul3A_566 = arith.constant 128 : i32
          %mul3A_567 = arith.muli %scan3A_565, %mul3A_566 : i32
          %dma_start3A = arith.constant 0 : i32
          %dma_start3A_568 = tpu.memref_slice %arg13[%mul3A_567, %dma_start3A] : memref<2048x8xf32, #tpu.memory_space<vmem>> -> memref<128x8xf32, #tpu.memory_space<vmem>>
          %dma_start3A_569 = tpu.memref_slice %arg9[%mul3A_567] : memref<2048xi32, #tpu.memory_space<vmem>> -> memref<128xi32, #tpu.memory_space<vmem>>
          %dma_start3A_570 = arith.constant 0 : i32
          %dma_start3A_571 = arith.constant 0 : i32
          %dma_start3A_572 = tpu.memref_slice %arg2[%dma_start3A_570, %dma_start3A_571] : memref<100000x8xf32, #tpu.memory_space<hbm>> -> memref<100000x8xf32, #tpu.memory_space<hbm>>
          tpu.enqueue_indirect_dma source(%dma_start3A_572 : memref<100000x8xf32, #tpu.memory_space<hbm>>) target(%dma_start3A_568 : memref<128x8xf32, #tpu.memory_space<vmem>>) offsets(%dma_start3A_569 : memref<128xi32, #tpu.memory_space<vmem>>) semaphore(%arg20 : memref<!tpu.dma_semaphore, #tpu.memory_space<semaphore_mem>>)
          %dma_start3A_573 = arith.constant 0 : i32
          %dma_start3A_574 = tpu.memref_slice %arg14[%mul3A_567, %dma_start3A_573] : memref<2048x8xf32, #tpu.memory_space<vmem>> -> memref<128x8xf32, #tpu.memory_space<vmem>>
          %dma_start3A_575 = tpu.memref_slice %arg10[%mul3A_567] : memref<2048xi32, #tpu.memory_space<vmem>> -> memref<128xi32, #tpu.memory_space<vmem>>
          %dma_start3A_576 = arith.constant 0 : i32
          %dma_start3A_577 = arith.constant 0 : i32
          %dma_start3A_578 = tpu.memref_slice %arg2[%dma_start3A_576, %dma_start3A_577] : memref<100000x8xf32, #tpu.memory_space<hbm>> -> memref<100000x8xf32, #tpu.memory_space<hbm>>
          tpu.enqueue_indirect_dma source(%dma_start3A_578 : memref<100000x8xf32, #tpu.memory_space<hbm>>) target(%dma_start3A_574 : memref<128x8xf32, #tpu.memory_space<vmem>>) offsets(%dma_start3A_575 : memref<128xi32, #tpu.memory_space<vmem>>) semaphore(%arg20 : memref<!tpu.dma_semaphore, #tpu.memory_space<semaphore_mem>>)
        }
        %scan3A_564 = arith.constant 16 : i32
      } else {
      }
      %lt3A_538 = arith.constant 3125 : i32
      %lt3A_539 = arith.cmpi slt, %add3A_530, %lt3A_538 : i32
      %convert_element_type3A_540 = arith.extui %lt3A_539 : i1 to i32
      %cond3A_541 = arith.constant 0 : i32
      %cond3A_542 = arith.cmpi ne, %convert_element_type3A_540, %cond3A_541 : i32
      %cond3A_543:7 = scf.if %cond3A_542 -> (vector<16xi32>, vector<16xi32>, vector<16xi32>, vector<16xi32>, vector<16xi32>, vector<16xi32>, vector<16xi32>) {
        %lt3A_555 = arith.constant 32 : i32
        %lt3A_556 = arith.cmpi slt, %add3A_530, %lt3A_555 : i32
        %mul3A_557 = arith.constant 2048 : i32
        %mul3A_558 = arith.muli %add3A_530, %mul3A_557 : i32
        %dma_wait3A_559 = arith.constant 0 : i32
        %dma_wait3A_560 = arith.constant 0 : i32
        %dma_wait3A_561 = tpu.memref_slice %arg2[%dma_wait3A_559, %dma_wait3A_560] : memref<100000x8xf32, #tpu.memory_space<hbm>> -> memref<2048x8xf32, #tpu.memory_space<hbm>>
        %dma_wait3A_562 = arith.constant 0 : i32
        %dma_wait3A_563 = arith.constant 0 : i32
        %dma_wait3A_564 = tpu.memref_slice %arg2[%dma_wait3A_562, %dma_wait3A_563] : memref<100000x8xf32, #tpu.memory_space<hbm>> -> memref<2048x8xf32, #tpu.memory_space<hbm>>
        tpu.wait_dma2 semaphore(%arg19 : memref<!tpu.dma_semaphore, #tpu.memory_space<semaphore_mem>>) src(%dma_wait3A_564 : memref<2048x8xf32, #tpu.memory_space<hbm>>) dst(%arg11 : memref<2048x8xf32, #tpu.memory_space<vmem>>)
        %dma_wait3A_565 = arith.constant 0 : i32
        %dma_wait3A_566 = arith.constant 0 : i32
        %dma_wait3A_567 = tpu.memref_slice %arg2[%dma_wait3A_565, %dma_wait3A_566] : memref<100000x8xf32, #tpu.memory_space<hbm>> -> memref<2048x8xf32, #tpu.memory_space<hbm>>
        %dma_wait3A_568 = arith.constant 0 : i32
        %dma_wait3A_569 = arith.constant 0 : i32
        %dma_wait3A_570 = tpu.memref_slice %arg2[%dma_wait3A_568, %dma_wait3A_569] : memref<100000x8xf32, #tpu.memory_space<hbm>> -> memref<2048x8xf32, #tpu.memory_space<hbm>>
        tpu.wait_dma2 semaphore(%arg19 : memref<!tpu.dma_semaphore, #tpu.memory_space<semaphore_mem>>) src(%dma_wait3A_570 : memref<2048x8xf32, #tpu.memory_space<hbm>>) dst(%arg12 : memref<2048x8xf32, #tpu.memory_space<vmem>>)
        %not3A = arith.constant true
        %not3A_571 = arith.xori %lt3A_556, %not3A : i1
        %convert_element_type3A_572 = arith.extui %not3A_571 : i1 to i32
        %cond3A_573 = arith.constant 0 : i32
        %cond3A_574 = arith.cmpi ne, %convert_element_type3A_572, %cond3A_573 : i32
        scf.if %cond3A_574 {
          %dma_wait3A_584 = arith.constant 0 : i32
          %dma_wait3A_585 = tpu.memref_slice %arg5[%dma_wait3A_584] : memref<25600000xf32, #tpu.memory_space<hbm>> -> memref<8192xf32, #tpu.memory_space<hbm>>
          %dma_wait3A_586 = arith.constant 0 : i32
          %dma_wait3A_587 = tpu.memref_slice %arg5[%dma_wait3A_586] : memref<25600000xf32, #tpu.memory_space<hbm>> -> memref<8192xf32, #tpu.memory_space<hbm>>
          tpu.wait_dma2 semaphore(%arg21 : memref<!tpu.dma_semaphore, #tpu.memory_space<semaphore_mem>>) src(%arg15 : memref<8192xf32, #tpu.memory_space<vmem>>) dst(%dma_wait3A_587 : memref<8192xf32, #tpu.memory_space<hbm>>)
        } else {
        }
        %scan3A_575 = arith.constant 0 : i32
        %scan3A_576 = arith.constant 128 : i32
        %scan3A_577 = arith.addi %scan3A_575, %scan3A_576 : i32
        %scan3A_578 = arith.constant 1 : i32
        %scan3A_579:7 = scf.for %scan3A_584 = %scan3A_575 to %scan3A_577 step %scan3A_578 iter_args(%scan3A_585 = %scan3A_519, %scan3A_586 = %scan3A_520, %scan3A_587 = %scan3A_521, %scan3A_588 = %scan3A_522, %scan3A_589 = %scan3A_523, %scan3A_590 = %scan3A_524, %scan3A_591 = %scan3A_525) -> (vector<16xi32>, vector<16xi32>, vector<16xi32>, vector<16xi32>, vector<16xi32>, vector<16xi32>, vector<16xi32>)  : i32 {
          %mul3A_592 = arith.constant 16 : i32
          %mul3A_593 = arith.muli %scan3A_584, %mul3A_592 : i32
          %add3A_594 = vector.broadcast %mul3A_593 : i32 to vector<16xi32>
          %add3A_595 = arith.addi %add3A_594, %iota3A : vector<16xi32>
          %gather3A_596 = tpu.vector_load_idx %arg11[%add3A_595, %broadcast_in_dim3A_3] : memref<2048x8xf32, #tpu.memory_space<vmem>>[vector<16xi32>, vector<16xi32>], vector<16xf32>,
          %gather3A_597 = tpu.vector_load_idx %arg11[%add3A_595, %broadcast_in_dim3A_5] : memref<2048x8xf32, #tpu.memory_space<vmem>>[vector<16xi32>, vector<16xi32>], vector<16xf32>,
          %gather3A_598 = tpu.vector_load_idx %arg11[%add3A_595, %broadcast_in_dim3A_7] : memref<2048x8xf32, #tpu.memory_space<vmem>>[vector<16xi32>, vector<16xi32>], vector<16xf32>,
          %gather3A_599 = tpu.vector_load_idx %arg12[%add3A_595, %broadcast_in_dim3A_3] : memref<2048x8xf32, #tpu.memory_space<vmem>>[vector<16xi32>, vector<16xi32>], vector<16xf32>,
          %gather3A_600 = tpu.vector_load_idx %arg12[%add3A_595, %broadcast_in_dim3A_5] : memref<2048x8xf32, #tpu.memory_space<vmem>>[vector<16xi32>, vector<16xi32>], vector<16xf32>,
          %gather3A_601 = tpu.vector_load_idx %arg12[%add3A_595, %broadcast_in_dim3A_7] : memref<2048x8xf32, #tpu.memory_space<vmem>>[vector<16xi32>, vector<16xi32>], vector<16xf32>,
          %sub3A_602 = arith.subf %gather3A_596, %gather3A_599 : vector<16xf32>
          %sub3A_603 = arith.subf %gather3A_597, %gather3A_600 : vector<16xf32>
          %sub3A_604 = arith.subf %gather3A_598, %gather3A_601 : vector<16xf32>
          %mul3A_605 = arith.mulf %sub3A_602, %sub3A_602 : vector<16xf32>
          %mul3A_606 = arith.mulf %sub3A_603, %sub3A_603 : vector<16xf32>
          %add3A_607 = arith.addf %mul3A_605, %mul3A_606 : vector<16xf32>
          %mul3A_608 = arith.mulf %sub3A_604, %sub3A_604 : vector<16xf32>
          %add3A_609 = arith.addf %add3A_607, %mul3A_608 : vector<16xf32>
          %add3A_610 = arith.constant 9.99999996E-13 : f32
          %add3A_611 = vector.broadcast %add3A_610 : f32 to vector<16xf32>
          %add3A_612 = arith.addf %add3A_609, %add3A_611 : vector<16xf32>
          %bitcast3A = vector.bitcast %add3A_612 : vector<16xf32> to vector<16xi32>
          %shift_right_arithmetic3A = arith.constant 1 : i32
          %shift_right_arithmetic3A_613 = vector.broadcast %shift_right_arithmetic3A : i32 to vector<16xi32>
          %shift_right_arithmetic3A_614 = arith.shrsi %bitcast3A, %shift_right_arithmetic3A_613 : vector<16xi32>
          %sub3A_615 = arith.constant 1597463007 : i32
          %sub3A_616 = vector.broadcast %sub3A_615 : i32 to vector<16xi32>
          %sub3A_617 = arith.subi %sub3A_616, %shift_right_arithmetic3A_614 : vector<16xi32>
          %bitcast3A_618 = vector.bitcast %sub3A_617 : vector<16xi32> to vector<16xf32>
          %mul3A_619 = arith.constant 5.000000e-01 : f32
          %mul3A_620 = vector.broadcast %mul3A_619 : f32 to vector<16xf32>
          %mul3A_621 = arith.mulf %add3A_612, %mul3A_620 : vector<16xf32>
          %mul3A_622 = arith.mulf %mul3A_621, %bitcast3A_618 : vector<16xf32>
          %mul3A_623 = arith.mulf %mul3A_622, %bitcast3A_618 : vector<16xf32>
          %sub3A_624 = arith.constant 1.500000e+00 : f32
          %sub3A_625 = vector.broadcast %sub3A_624 : f32 to vector<16xf32>
          %sub3A_626 = arith.subf %sub3A_625, %mul3A_623 : vector<16xf32>
          %mul3A_627 = arith.mulf %bitcast3A_618, %sub3A_626 : vector<16xf32>
          %mul3A_628 = arith.mulf %mul3A_621, %mul3A_627 : vector<16xf32>
          %mul3A_629 = arith.mulf %mul3A_628, %mul3A_627 : vector<16xf32>
          %sub3A_630 = arith.constant 1.500000e+00 : f32
          %sub3A_631 = vector.broadcast %sub3A_630 : f32 to vector<16xf32>
          %sub3A_632 = arith.subf %sub3A_631, %mul3A_629 : vector<16xf32>
          %mul3A_633 = arith.mulf %mul3A_627, %sub3A_632 : vector<16xf32>
          %mul3A_634 = arith.mulf %mul3A_621, %mul3A_633 : vector<16xf32>
          %mul3A_635 = arith.mulf %mul3A_634, %mul3A_633 : vector<16xf32>
          %sub3A_636 = arith.constant 1.500000e+00 : f32
          %sub3A_637 = vector.broadcast %sub3A_636 : f32 to vector<16xf32>
          %sub3A_638 = arith.subf %sub3A_637, %mul3A_635 : vector<16xf32>
          %mul3A_639 = arith.mulf %mul3A_633, %sub3A_638 : vector<16xf32>
          %mul3A_640 = arith.mulf %add3A_612, %mul3A_639 : vector<16xf32>
          %jit3A_641 = arith.constant 8 : i32
          %div3A = arith.divsi %scan3A_584, %jit3A_641 : i32
          %sign3A = arith.constant 0 : i32
          %sign3A_642 = arith.cmpi sgt, %scan3A_584, %sign3A : i32
          %sign3A_643 = arith.extui %sign3A_642 : i1 to i32
          %sign3A_644 = arith.constant 0 : i32
          %sign3A_645 = arith.cmpi slt, %scan3A_584, %sign3A_644 : i32
          %sign3A_646 = arith.extui %sign3A_645 : i1 to i32
          %sign3A_647 = arith.subi %sign3A_643, %sign3A_646 : i32
          %sign3A_648 = arith.constant 0 : i32
          %sign3A_649 = arith.cmpi sgt, %jit3A_641, %sign3A_648 : i32
          %sign3A_650 = arith.extui %sign3A_649 : i1 to i32
          %sign3A_651 = arith.constant 0 : i32
          %sign3A_652 = arith.cmpi slt, %jit3A_641, %sign3A_651 : i32
          %sign3A_653 = arith.extui %sign3A_652 : i1 to i32
          %sign3A_654 = arith.subi %sign3A_650, %sign3A_653 : i32
          %ne3A = arith.cmpi ne, %sign3A_647, %sign3A_654 : i32
          %rem3A = arith.remsi %scan3A_584, %jit3A_641 : i32
          %ne3A_655 = arith.constant 0 : i32
          %ne3A_656 = arith.cmpi ne, %rem3A, %ne3A_655 : i32
          %and3A = arith.andi %ne3A, %ne3A_656 : i1
          %sub3A_657 = arith.constant 1 : i32
          %sub3A_658 = arith.subi %div3A, %sub3A_657 : i32
          %select_n3A_659 = arith.select %and3A, %sub3A_658, %div3A : i32
          %mul3A_660 = arith.constant 8 : i32
          %mul3A_661 = arith.muli %select_n3A_659, %mul3A_660 : i32
          %sub3A_662 = arith.subi %scan3A_584, %mul3A_661 : i32
          %mul3A_663 = arith.constant 512 : i32
          %mul3A_664 = arith.muli %select_n3A_659, %mul3A_663 : i32
          %mul3A_665 = arith.constant 16 : i32
          %mul3A_666 = arith.muli %sub3A_662, %mul3A_665 : i32
          %add3A_667 = arith.addi %mul3A_664, %mul3A_666 : i32
          %swap3A_668 = arith.index_cast %add3A_667 : i32 to index
          %swap3A_669 = tpu.vector_load %arg15[%swap3A_668] {strides = array<i32>} : memref<8192xf32, #tpu.memory_space<vmem>>, vector<16xf32>,
          tpu.vector_store %arg15[%swap3A_668], %sub3A_602 {strides = array<i32>} : memref<8192xf32, #tpu.memory_space<vmem>>, vector<16xf32>,
          %add3A_670 = arith.constant 128 : i32
          %add3A_671 = arith.addi %add3A_667, %add3A_670 : i32
          %swap3A_672 = arith.index_cast %add3A_671 : i32 to index
          %swap3A_673 = tpu.vector_load %arg15[%swap3A_672] {strides = array<i32>} : memref<8192xf32, #tpu.memory_space<vmem>>, vector<16xf32>,
          tpu.vector_store %arg15[%swap3A_672], %sub3A_603 {strides = array<i32>} : memref<8192xf32, #tpu.memory_space<vmem>>, vector<16xf32>,
          %add3A_674 = arith.constant 256 : i32
          %add3A_675 = arith.addi %add3A_667, %add3A_674 : i32
          %swap3A_676 = arith.index_cast %add3A_675 : i32 to index
          %swap3A_677 = tpu.vector_load %arg15[%swap3A_676] {strides = array<i32>} : memref<8192xf32, #tpu.memory_space<vmem>>, vector<16xf32>,
          tpu.vector_store %arg15[%swap3A_676], %sub3A_604 {strides = array<i32>} : memref<8192xf32, #tpu.memory_space<vmem>>, vector<16xf32>,
          %add3A_678 = arith.constant 384 : i32
          %add3A_679 = arith.addi %add3A_667, %add3A_678 : i32
          %swap3A_680 = arith.index_cast %add3A_679 : i32 to index
          %swap3A_681 = tpu.vector_load %arg15[%swap3A_680] {strides = array<i32>} : memref<8192xf32, #tpu.memory_space<vmem>>, vector<16xf32>,
          tpu.vector_store %arg15[%swap3A_680], %mul3A_640 {strides = array<i32>} : memref<8192xf32, #tpu.memory_space<vmem>>, vector<16xf32>,
          %mul3A_682 = arith.constant 16 : i32
          %mul3A_683 = arith.muli %scan3A_584, %mul3A_682 : i32
          %get3A = arith.index_cast %mul3A_683 : i32 to index
          %get3A_684 = tpu.vector_load %arg8[%get3A] {strides = array<i32>} : memref<2048xi32, #tpu.memory_space<vmem>>, vector<16xi32>,
          %ge3A = arith.cmpi sge, %get3A_684, %sub3A_40 : vector<16xi32>
          %jit3A_685 = arith.constant 1 : i32
          %jit3A_686 = arith.constant 0 : i32
          %broadcast_in_dim3A_687 = vector.broadcast %jit3A_685 : i32 to vector<16xi32>
          %broadcast_in_dim3A_688 = vector.broadcast %jit3A_686 : i32 to vector<16xi32>
          %select_n3A_689 = arith.select %ge3A, %broadcast_in_dim3A_687, %broadcast_in_dim3A_688 : vector<16xi1>, vector<16xi32>
          %add3A_690 = arith.addi %scan3A_585, %select_n3A_689 : vector<16xi32>
          %ge3A_691 = arith.cmpi sge, %get3A_684, %sub3A_71 : vector<16xi32>
          %jit3A_692 = arith.constant 1 : i32
          %jit3A_693 = arith.constant 0 : i32
          %broadcast_in_dim3A_694 = vector.broadcast %jit3A_692 : i32 to vector<16xi32>
          %broadcast_in_dim3A_695 = vector.broadcast %jit3A_693 : i32 to vector<16xi32>
          %select_n3A_696 = arith.select %ge3A_691, %broadcast_in_dim3A_694, %broadcast_in_dim3A_695 : vector<16xi1>, vector<16xi32>
          %add3A_697 = arith.addi %scan3A_586, %select_n3A_696 : vector<16xi32>
          %ge3A_698 = arith.cmpi sge, %get3A_684, %sub3A_102 : vector<16xi32>
          %jit3A_699 = arith.constant 1 : i32
          %jit3A_700 = arith.constant 0 : i32
          %broadcast_in_dim3A_701 = vector.broadcast %jit3A_699 : i32 to vector<16xi32>
          %broadcast_in_dim3A_702 = vector.broadcast %jit3A_700 : i32 to vector<16xi32>
          %select_n3A_703 = arith.select %ge3A_698, %broadcast_in_dim3A_701, %broadcast_in_dim3A_702 : vector<16xi1>, vector<16xi32>
          %add3A_704 = arith.addi %scan3A_587, %select_n3A_703 : vector<16xi32>
          %ge3A_705 = arith.cmpi sge, %get3A_684, %sub3A_133 : vector<16xi32>
          %jit3A_706 = arith.constant 1 : i32
          %jit3A_707 = arith.constant 0 : i32
          %broadcast_in_dim3A_708 = vector.broadcast %jit3A_706 : i32 to vector<16xi32>
          %broadcast_in_dim3A_709 = vector.broadcast %jit3A_707 : i32 to vector<16xi32>
          %select_n3A_710 = arith.select %ge3A_705, %broadcast_in_dim3A_708, %broadcast_in_dim3A_709 : vector<16xi1>, vector<16xi32>
          %add3A_711 = arith.addi %scan3A_588, %select_n3A_710 : vector<16xi32>
          %ge3A_712 = arith.cmpi sge, %get3A_684, %sub3A_164 : vector<16xi32>
          %jit3A_713 = arith.constant 1 : i32
          %jit3A_714 = arith.constant 0 : i32
          %broadcast_in_dim3A_715 = vector.broadcast %jit3A_713 : i32 to vector<16xi32>
          %broadcast_in_dim3A_716 = vector.broadcast %jit3A_714 : i32 to vector<16xi32>
          %select_n3A_717 = arith.select %ge3A_712, %broadcast_in_dim3A_715, %broadcast_in_dim3A_716 : vector<16xi1>, vector<16xi32>
          %add3A_718 = arith.addi %scan3A_589, %select_n3A_717 : vector<16xi32>
          %ge3A_719 = arith.cmpi sge, %get3A_684, %sub3A_195 : vector<16xi32>
          %jit3A_720 = arith.constant 1 : i32
          %jit3A_721 = arith.constant 0 : i32
          %broadcast_in_dim3A_722 = vector.broadcast %jit3A_720 : i32 to vector<16xi32>
          %broadcast_in_dim3A_723 = vector.broadcast %jit3A_721 : i32 to vector<16xi32>
          %select_n3A_724 = arith.select %ge3A_719, %broadcast_in_dim3A_722, %broadcast_in_dim3A_723 : vector<16xi1>, vector<16xi32>
          %add3A_725 = arith.addi %scan3A_590, %select_n3A_724 : vector<16xi32>
          %ge3A_726 = arith.cmpi sge, %get3A_684, %sub3A_226 : vector<16xi32>
          %jit3A_727 = arith.constant 1 : i32
          %jit3A_728 = arith.constant 0 : i32
          %broadcast_in_dim3A_729 = vector.broadcast %jit3A_727 : i32 to vector<16xi32>
          %broadcast_in_dim3A_730 = vector.broadcast %jit3A_728 : i32 to vector<16xi32>
          %select_n3A_731 = arith.select %ge3A_726, %broadcast_in_dim3A_729, %broadcast_in_dim3A_730 : vector<16xi1>, vector<16xi32>
          %add3A_732 = arith.addi %scan3A_591, %select_n3A_731 : vector<16xi32>
          scf.yield %add3A_690, %add3A_697, %add3A_704, %add3A_711, %add3A_718, %add3A_725, %add3A_732 : vector<16xi32>, vector<16xi32>, vector<16xi32>, vector<16xi32>, vector<16xi32>, vector<16xi32>, vector<16xi32>
        }
        %scan3A_580 = arith.constant 128 : i32
        %mul3A_581 = arith.constant 4 : i32
        %mul3A_582 = arith.muli %mul3A_558, %mul3A_581 : i32
        %dma_start3A = tpu.memref_slice %arg5[%mul3A_582] : memref<25600000xf32, #tpu.memory_space<hbm>> -> memref<8192xf32, #tpu.memory_space<hbm>>
        %dma_start3A_583 = tpu.memref_slice %arg5[%mul3A_582] : memref<25600000xf32, #tpu.memory_space<hbm>> -> memref<8192xf32, #tpu.memory_space<hbm>>
        tpu.enqueue_dma source(%arg15 : memref<8192xf32, #tpu.memory_space<vmem>>) target(%dma_start3A_583 : memref<8192xf32, #tpu.memory_space<hbm>>) target_semaphore(%arg21 : memref<!tpu.dma_semaphore, #tpu.memory_space<semaphore_mem>>)
        scf.yield %scan3A_579#0, %scan3A_579#1, %scan3A_579#2, %scan3A_579#3, %scan3A_579#4, %scan3A_579#5, %scan3A_579#6 : vector<16xi32>, vector<16xi32>, vector<16xi32>, vector<16xi32>, vector<16xi32>, vector<16xi32>, vector<16xi32>
      } else {
        scf.yield %scan3A_519, %scan3A_520, %scan3A_521, %scan3A_522, %scan3A_523, %scan3A_524, %scan3A_525 : vector<16xi32>, vector<16xi32>, vector<16xi32>, vector<16xi32>, vector<16xi32>, vector<16xi32>, vector<16xi32>
      }
      %lt3A_544 = arith.constant 3125 : i32
      %lt3A_545 = arith.cmpi slt, %add3A_534, %lt3A_544 : i32
      %convert_element_type3A_546 = arith.extui %lt3A_545 : i1 to i32
      %cond3A_547 = arith.constant 0 : i32
      %cond3A_548 = arith.cmpi ne, %convert_element_type3A_546, %cond3A_547 : i32
      scf.if %cond3A_548 {
        %mul3A_555 = arith.constant 2048 : i32
        %mul3A_556 = arith.muli %add3A_534, %mul3A_555 : i32
        "tpu.region"() ({
          %run_scoped3A = tpu.sem_alloc : memref<!tpu.dma_semaphore, #tpu.memory_space<semaphore_mem>>
          %dma_start3A = tpu.memref_slice %arg3[%mul3A_556] : memref<12800000xi32, #tpu.memory_space<hbm>> -> memref<2048xi32, #tpu.memory_space<hbm>>
          %dma_start3A_565 = tpu.memref_slice %arg3[%mul3A_556] : memref<12800000xi32, #tpu.memory_space<hbm>> -> memref<2048xi32, #tpu.memory_space<hbm>>
          tpu.enqueue_dma source(%dma_start3A_565 : memref<2048xi32, #tpu.memory_space<hbm>>) target(%arg7 : memref<2048xi32, #tpu.memory_space<vmem>>) target_semaphore(%run_scoped3A : memref<!tpu.dma_semaphore, #tpu.memory_space<semaphore_mem>>)
          %dma_wait3A_566 = tpu.memref_slice %arg3[%mul3A_556] : memref<12800000xi32, #tpu.memory_space<hbm>> -> memref<2048xi32, #tpu.memory_space<hbm>>
          %dma_wait3A_567 = tpu.memref_slice %arg3[%mul3A_556] : memref<12800000xi32, #tpu.memory_space<hbm>> -> memref<2048xi32, #tpu.memory_space<hbm>>
          tpu.wait_dma2 semaphore(%run_scoped3A : memref<!tpu.dma_semaphore, #tpu.memory_space<semaphore_mem>>) src(%dma_wait3A_567 : memref<2048xi32, #tpu.memory_space<hbm>>) dst(%arg7 : memref<2048xi32, #tpu.memory_space<vmem>>)
          tpu.yield
        }) : () -> ()
        %add3A_557 = arith.constant 6400000 : i32
        %add3A_558 = arith.addi %add3A_557, %mul3A_556 : i32
        "tpu.region"() ({
          %run_scoped3A = tpu.sem_alloc : memref<!tpu.dma_semaphore, #tpu.memory_space<semaphore_mem>>
          %dma_start3A = tpu.memref_slice %arg3[%add3A_558] : memref<12800000xi32, #tpu.memory_space<hbm>> -> memref<2048xi32, #tpu.memory_space<hbm>>
          %dma_start3A_565 = tpu.memref_slice %arg3[%add3A_558] : memref<12800000xi32, #tpu.memory_space<hbm>> -> memref<2048xi32, #tpu.memory_space<hbm>>
          tpu.enqueue_dma source(%dma_start3A_565 : memref<2048xi32, #tpu.memory_space<hbm>>) target(%arg8 : memref<2048xi32, #tpu.memory_space<vmem>>) target_semaphore(%run_scoped3A : memref<!tpu.dma_semaphore, #tpu.memory_space<semaphore_mem>>)
          %dma_wait3A_566 = tpu.memref_slice %arg3[%add3A_558] : memref<12800000xi32, #tpu.memory_space<hbm>> -> memref<2048xi32, #tpu.memory_space<hbm>>
          %dma_wait3A_567 = tpu.memref_slice %arg3[%add3A_558] : memref<12800000xi32, #tpu.memory_space<hbm>> -> memref<2048xi32, #tpu.memory_space<hbm>>
          tpu.wait_dma2 semaphore(%run_scoped3A : memref<!tpu.dma_semaphore, #tpu.memory_space<semaphore_mem>>) src(%dma_wait3A_567 : memref<2048xi32, #tpu.memory_space<hbm>>) dst(%arg8 : memref<2048xi32, #tpu.memory_space<vmem>>)
          tpu.yield
        }) : () -> ()
        %scan3A_559 = arith.constant 0 : i32
        %scan3A_560 = arith.constant 0 : i32
        %scan3A_561 = arith.constant 16 : i32
        %scan3A_562 = arith.addi %scan3A_560, %scan3A_561 : i32
        %scan3A_563 = arith.constant 1 : i32
        scf.for %scan3A_565 = %scan3A_560 to %scan3A_562 step %scan3A_563  : i32 {
          %mul3A_566 = arith.constant 128 : i32
          %mul3A_567 = arith.muli %scan3A_565, %mul3A_566 : i32
          %dma_start3A = arith.constant 0 : i32
          %dma_start3A_568 = tpu.memref_slice %arg11[%mul3A_567, %dma_start3A] : memref<2048x8xf32, #tpu.memory_space<vmem>> -> memref<128x8xf32, #tpu.memory_space<vmem>>
          %dma_start3A_569 = tpu.memref_slice %arg7[%mul3A_567] : memref<2048xi32, #tpu.memory_space<vmem>> -> memref<128xi32, #tpu.memory_space<vmem>>
          %dma_start3A_570 = arith.constant 0 : i32
          %dma_start3A_571 = arith.constant 0 : i32
          %dma_start3A_572 = tpu.memref_slice %arg2[%dma_start3A_570, %dma_start3A_571] : memref<100000x8xf32, #tpu.memory_space<hbm>> -> memref<100000x8xf32, #tpu.memory_space<hbm>>
          tpu.enqueue_indirect_dma source(%dma_start3A_572 : memref<100000x8xf32, #tpu.memory_space<hbm>>) target(%dma_start3A_568 : memref<128x8xf32, #tpu.memory_space<vmem>>) offsets(%dma_start3A_569 : memref<128xi32, #tpu.memory_space<vmem>>) semaphore(%arg19 : memref<!tpu.dma_semaphore, #tpu.memory_space<semaphore_mem>>)
          %dma_start3A_573 = arith.constant 0 : i32
          %dma_start3A_574 = tpu.memref_slice %arg12[%mul3A_567, %dma_start3A_573] : memref<2048x8xf32, #tpu.memory_space<vmem>> -> memref<128x8xf32, #tpu.memory_space<vmem>>
          %dma_start3A_575 = tpu.memref_slice %arg8[%mul3A_567] : memref<2048xi32, #tpu.memory_space<vmem>> -> memref<128xi32, #tpu.memory_space<vmem>>
          %dma_start3A_576 = arith.constant 0 : i32
          %dma_start3A_577 = arith.constant 0 : i32
          %dma_start3A_578 = tpu.memref_slice %arg2[%dma_start3A_576, %dma_start3A_577] : memref<100000x8xf32, #tpu.memory_space<hbm>> -> memref<100000x8xf32, #tpu.memory_space<hbm>>
          tpu.enqueue_indirect_dma source(%dma_start3A_578 : memref<100000x8xf32, #tpu.memory_space<hbm>>) target(%dma_start3A_574 : memref<128x8xf32, #tpu.memory_space<vmem>>) offsets(%dma_start3A_575 : memref<128xi32, #tpu.memory_space<vmem>>) semaphore(%arg19 : memref<!tpu.dma_semaphore, #tpu.memory_space<semaphore_mem>>)
        }
        %scan3A_564 = arith.constant 16 : i32
      } else {
      }
      %lt3A_549 = arith.constant 3125 : i32
      %lt3A_550 = arith.cmpi slt, %add3A_532, %lt3A_549 : i32
      %convert_element_type3A_551 = arith.extui %lt3A_550 : i1 to i32
      %cond3A_552 = arith.constant 0 : i32
      %cond3A_553 = arith.cmpi ne, %convert_element_type3A_551, %cond3A_552 : i32
      %cond3A_554:7 = scf.if %cond3A_553 -> (vector<16xi32>, vector<16xi32>, vector<16xi32>, vector<16xi32>, vector<16xi32>, vector<16xi32>, vector<16xi32>) {
        %lt3A_555 = arith.constant 64 : i32
        %lt3A_556 = arith.cmpi slt, %add3A_532, %lt3A_555 : i32
        %mul3A_557 = arith.constant 2048 : i32
        %mul3A_558 = arith.muli %add3A_532, %mul3A_557 : i32
        %dma_wait3A_559 = arith.constant 0 : i32
        %dma_wait3A_560 = arith.constant 0 : i32
        %dma_wait3A_561 = tpu.memref_slice %arg2[%dma_wait3A_559, %dma_wait3A_560] : memref<100000x8xf32, #tpu.memory_space<hbm>> -> memref<2048x8xf32, #tpu.memory_space<hbm>>
        %dma_wait3A_562 = arith.constant 0 : i32
        %dma_wait3A_563 = arith.constant 0 : i32
        %dma_wait3A_564 = tpu.memref_slice %arg2[%dma_wait3A_562, %dma_wait3A_563] : memref<100000x8xf32, #tpu.memory_space<hbm>> -> memref<2048x8xf32, #tpu.memory_space<hbm>>
        tpu.wait_dma2 semaphore(%arg20 : memref<!tpu.dma_semaphore, #tpu.memory_space<semaphore_mem>>) src(%dma_wait3A_564 : memref<2048x8xf32, #tpu.memory_space<hbm>>) dst(%arg13 : memref<2048x8xf32, #tpu.memory_space<vmem>>)
        %dma_wait3A_565 = arith.constant 0 : i32
        %dma_wait3A_566 = arith.constant 0 : i32
        %dma_wait3A_567 = tpu.memref_slice %arg2[%dma_wait3A_565, %dma_wait3A_566] : memref<100000x8xf32, #tpu.memory_space<hbm>> -> memref<2048x8xf32, #tpu.memory_space<hbm>>
        %dma_wait3A_568 = arith.constant 0 : i32
        %dma_wait3A_569 = arith.constant 0 : i32
        %dma_wait3A_570 = tpu.memref_slice %arg2[%dma_wait3A_568, %dma_wait3A_569] : memref<100000x8xf32, #tpu.memory_space<hbm>> -> memref<2048x8xf32, #tpu.memory_space<hbm>>
        tpu.wait_dma2 semaphore(%arg20 : memref<!tpu.dma_semaphore, #tpu.memory_space<semaphore_mem>>) src(%dma_wait3A_570 : memref<2048x8xf32, #tpu.memory_space<hbm>>) dst(%arg14 : memref<2048x8xf32, #tpu.memory_space<vmem>>)
        %not3A = arith.constant true
        %not3A_571 = arith.xori %lt3A_556, %not3A : i1
        %convert_element_type3A_572 = arith.extui %not3A_571 : i1 to i32
        %cond3A_573 = arith.constant 0 : i32
        %cond3A_574 = arith.cmpi ne, %convert_element_type3A_572, %cond3A_573 : i32
        scf.if %cond3A_574 {
          %dma_wait3A_584 = arith.constant 0 : i32
          %dma_wait3A_585 = tpu.memref_slice %arg5[%dma_wait3A_584] : memref<25600000xf32, #tpu.memory_space<hbm>> -> memref<8192xf32, #tpu.memory_space<hbm>>
          %dma_wait3A_586 = arith.constant 0 : i32
          %dma_wait3A_587 = tpu.memref_slice %arg5[%dma_wait3A_586] : memref<25600000xf32, #tpu.memory_space<hbm>> -> memref<8192xf32, #tpu.memory_space<hbm>>
          tpu.wait_dma2 semaphore(%arg22 : memref<!tpu.dma_semaphore, #tpu.memory_space<semaphore_mem>>) src(%arg16 : memref<8192xf32, #tpu.memory_space<vmem>>) dst(%dma_wait3A_587 : memref<8192xf32, #tpu.memory_space<hbm>>)
        } else {
        }
        %scan3A_575 = arith.constant 0 : i32
        %scan3A_576 = arith.constant 128 : i32
        %scan3A_577 = arith.addi %scan3A_575, %scan3A_576 : i32
        %scan3A_578 = arith.constant 1 : i32
        %scan3A_579:7 = scf.for %scan3A_584 = %scan3A_575 to %scan3A_577 step %scan3A_578 iter_args(%scan3A_585 = %cond3A_543#0, %scan3A_586 = %cond3A_543#1, %scan3A_587 = %cond3A_543#2, %scan3A_588 = %cond3A_543#3, %scan3A_589 = %cond3A_543#4, %scan3A_590 = %cond3A_543#5, %scan3A_591 = %cond3A_543#6) -> (vector<16xi32>, vector<16xi32>, vector<16xi32>, vector<16xi32>, vector<16xi32>, vector<16xi32>, vector<16xi32>)  : i32 {
          %mul3A_592 = arith.constant 16 : i32
          %mul3A_593 = arith.muli %scan3A_584, %mul3A_592 : i32
          %add3A_594 = vector.broadcast %mul3A_593 : i32 to vector<16xi32>
          %add3A_595 = arith.addi %add3A_594, %iota3A : vector<16xi32>
          %gather3A_596 = tpu.vector_load_idx %arg13[%add3A_595, %broadcast_in_dim3A_3] : memref<2048x8xf32, #tpu.memory_space<vmem>>[vector<16xi32>, vector<16xi32>], vector<16xf32>,
          %gather3A_597 = tpu.vector_load_idx %arg13[%add3A_595, %broadcast_in_dim3A_5] : memref<2048x8xf32, #tpu.memory_space<vmem>>[vector<16xi32>, vector<16xi32>], vector<16xf32>,
          %gather3A_598 = tpu.vector_load_idx %arg13[%add3A_595, %broadcast_in_dim3A_7] : memref<2048x8xf32, #tpu.memory_space<vmem>>[vector<16xi32>, vector<16xi32>], vector<16xf32>,
          %gather3A_599 = tpu.vector_load_idx %arg14[%add3A_595, %broadcast_in_dim3A_3] : memref<2048x8xf32, #tpu.memory_space<vmem>>[vector<16xi32>, vector<16xi32>], vector<16xf32>,
          %gather3A_600 = tpu.vector_load_idx %arg14[%add3A_595, %broadcast_in_dim3A_5] : memref<2048x8xf32, #tpu.memory_space<vmem>>[vector<16xi32>, vector<16xi32>], vector<16xf32>,
          %gather3A_601 = tpu.vector_load_idx %arg14[%add3A_595, %broadcast_in_dim3A_7] : memref<2048x8xf32, #tpu.memory_space<vmem>>[vector<16xi32>, vector<16xi32>], vector<16xf32>,
          %sub3A_602 = arith.subf %gather3A_596, %gather3A_599 : vector<16xf32>
          %sub3A_603 = arith.subf %gather3A_597, %gather3A_600 : vector<16xf32>
          %sub3A_604 = arith.subf %gather3A_598, %gather3A_601 : vector<16xf32>
          %mul3A_605 = arith.mulf %sub3A_602, %sub3A_602 : vector<16xf32>
          %mul3A_606 = arith.mulf %sub3A_603, %sub3A_603 : vector<16xf32>
          %add3A_607 = arith.addf %mul3A_605, %mul3A_606 : vector<16xf32>
          %mul3A_608 = arith.mulf %sub3A_604, %sub3A_604 : vector<16xf32>
          %add3A_609 = arith.addf %add3A_607, %mul3A_608 : vector<16xf32>
          %add3A_610 = arith.constant 9.99999996E-13 : f32
          %add3A_611 = vector.broadcast %add3A_610 : f32 to vector<16xf32>
          %add3A_612 = arith.addf %add3A_609, %add3A_611 : vector<16xf32>
          %bitcast3A = vector.bitcast %add3A_612 : vector<16xf32> to vector<16xi32>
          %shift_right_arithmetic3A = arith.constant 1 : i32
          %shift_right_arithmetic3A_613 = vector.broadcast %shift_right_arithmetic3A : i32 to vector<16xi32>
          %shift_right_arithmetic3A_614 = arith.shrsi %bitcast3A, %shift_right_arithmetic3A_613 : vector<16xi32>
          %sub3A_615 = arith.constant 1597463007 : i32
          %sub3A_616 = vector.broadcast %sub3A_615 : i32 to vector<16xi32>
          %sub3A_617 = arith.subi %sub3A_616, %shift_right_arithmetic3A_614 : vector<16xi32>
          %bitcast3A_618 = vector.bitcast %sub3A_617 : vector<16xi32> to vector<16xf32>
          %mul3A_619 = arith.constant 5.000000e-01 : f32
          %mul3A_620 = vector.broadcast %mul3A_619 : f32 to vector<16xf32>
          %mul3A_621 = arith.mulf %add3A_612, %mul3A_620 : vector<16xf32>
          %mul3A_622 = arith.mulf %mul3A_621, %bitcast3A_618 : vector<16xf32>
          %mul3A_623 = arith.mulf %mul3A_622, %bitcast3A_618 : vector<16xf32>
          %sub3A_624 = arith.constant 1.500000e+00 : f32
          %sub3A_625 = vector.broadcast %sub3A_624 : f32 to vector<16xf32>
          %sub3A_626 = arith.subf %sub3A_625, %mul3A_623 : vector<16xf32>
          %mul3A_627 = arith.mulf %bitcast3A_618, %sub3A_626 : vector<16xf32>
          %mul3A_628 = arith.mulf %mul3A_621, %mul3A_627 : vector<16xf32>
          %mul3A_629 = arith.mulf %mul3A_628, %mul3A_627 : vector<16xf32>
          %sub3A_630 = arith.constant 1.500000e+00 : f32
          %sub3A_631 = vector.broadcast %sub3A_630 : f32 to vector<16xf32>
          %sub3A_632 = arith.subf %sub3A_631, %mul3A_629 : vector<16xf32>
          %mul3A_633 = arith.mulf %mul3A_627, %sub3A_632 : vector<16xf32>
          %mul3A_634 = arith.mulf %mul3A_621, %mul3A_633 : vector<16xf32>
          %mul3A_635 = arith.mulf %mul3A_634, %mul3A_633 : vector<16xf32>
          %sub3A_636 = arith.constant 1.500000e+00 : f32
          %sub3A_637 = vector.broadcast %sub3A_636 : f32 to vector<16xf32>
          %sub3A_638 = arith.subf %sub3A_637, %mul3A_635 : vector<16xf32>
          %mul3A_639 = arith.mulf %mul3A_633, %sub3A_638 : vector<16xf32>
          %mul3A_640 = arith.mulf %add3A_612, %mul3A_639 : vector<16xf32>
          %jit3A_641 = arith.constant 8 : i32
          %div3A = arith.divsi %scan3A_584, %jit3A_641 : i32
          %sign3A = arith.constant 0 : i32
          %sign3A_642 = arith.cmpi sgt, %scan3A_584, %sign3A : i32
          %sign3A_643 = arith.extui %sign3A_642 : i1 to i32
          %sign3A_644 = arith.constant 0 : i32
          %sign3A_645 = arith.cmpi slt, %scan3A_584, %sign3A_644 : i32
          %sign3A_646 = arith.extui %sign3A_645 : i1 to i32
          %sign3A_647 = arith.subi %sign3A_643, %sign3A_646 : i32
          %sign3A_648 = arith.constant 0 : i32
          %sign3A_649 = arith.cmpi sgt, %jit3A_641, %sign3A_648 : i32
          %sign3A_650 = arith.extui %sign3A_649 : i1 to i32
          %sign3A_651 = arith.constant 0 : i32
          %sign3A_652 = arith.cmpi slt, %jit3A_641, %sign3A_651 : i32
          %sign3A_653 = arith.extui %sign3A_652 : i1 to i32
          %sign3A_654 = arith.subi %sign3A_650, %sign3A_653 : i32
          %ne3A = arith.cmpi ne, %sign3A_647, %sign3A_654 : i32
          %rem3A = arith.remsi %scan3A_584, %jit3A_641 : i32
          %ne3A_655 = arith.constant 0 : i32
          %ne3A_656 = arith.cmpi ne, %rem3A, %ne3A_655 : i32
          %and3A = arith.andi %ne3A, %ne3A_656 : i1
          %sub3A_657 = arith.constant 1 : i32
          %sub3A_658 = arith.subi %div3A, %sub3A_657 : i32
          %select_n3A_659 = arith.select %and3A, %sub3A_658, %div3A : i32
          %mul3A_660 = arith.constant 8 : i32
          %mul3A_661 = arith.muli %select_n3A_659, %mul3A_660 : i32
          %sub3A_662 = arith.subi %scan3A_584, %mul3A_661 : i32
          %mul3A_663 = arith.constant 512 : i32
          %mul3A_664 = arith.muli %select_n3A_659, %mul3A_663 : i32
          %mul3A_665 = arith.constant 16 : i32
          %mul3A_666 = arith.muli %sub3A_662, %mul3A_665 : i32
          %add3A_667 = arith.addi %mul3A_664, %mul3A_666 : i32
          %swap3A_668 = arith.index_cast %add3A_667 : i32 to index
          %swap3A_669 = tpu.vector_load %arg16[%swap3A_668] {strides = array<i32>} : memref<8192xf32, #tpu.memory_space<vmem>>, vector<16xf32>,
          tpu.vector_store %arg16[%swap3A_668], %sub3A_602 {strides = array<i32>} : memref<8192xf32, #tpu.memory_space<vmem>>, vector<16xf32>,
          %add3A_670 = arith.constant 128 : i32
          %add3A_671 = arith.addi %add3A_667, %add3A_670 : i32
          %swap3A_672 = arith.index_cast %add3A_671 : i32 to index
          %swap3A_673 = tpu.vector_load %arg16[%swap3A_672] {strides = array<i32>} : memref<8192xf32, #tpu.memory_space<vmem>>, vector<16xf32>,
          tpu.vector_store %arg16[%swap3A_672], %sub3A_603 {strides = array<i32>} : memref<8192xf32, #tpu.memory_space<vmem>>, vector<16xf32>,
          %add3A_674 = arith.constant 256 : i32
          %add3A_675 = arith.addi %add3A_667, %add3A_674 : i32
          %swap3A_676 = arith.index_cast %add3A_675 : i32 to index
          %swap3A_677 = tpu.vector_load %arg16[%swap3A_676] {strides = array<i32>} : memref<8192xf32, #tpu.memory_space<vmem>>, vector<16xf32>,
          tpu.vector_store %arg16[%swap3A_676], %sub3A_604 {strides = array<i32>} : memref<8192xf32, #tpu.memory_space<vmem>>, vector<16xf32>,
          %add3A_678 = arith.constant 384 : i32
          %add3A_679 = arith.addi %add3A_667, %add3A_678 : i32
          %swap3A_680 = arith.index_cast %add3A_679 : i32 to index
          %swap3A_681 = tpu.vector_load %arg16[%swap3A_680] {strides = array<i32>} : memref<8192xf32, #tpu.memory_space<vmem>>, vector<16xf32>,
          tpu.vector_store %arg16[%swap3A_680], %mul3A_640 {strides = array<i32>} : memref<8192xf32, #tpu.memory_space<vmem>>, vector<16xf32>,
          %mul3A_682 = arith.constant 16 : i32
          %mul3A_683 = arith.muli %scan3A_584, %mul3A_682 : i32
          %get3A = arith.index_cast %mul3A_683 : i32 to index
          %get3A_684 = tpu.vector_load %arg10[%get3A] {strides = array<i32>} : memref<2048xi32, #tpu.memory_space<vmem>>, vector<16xi32>,
          %ge3A = arith.cmpi sge, %get3A_684, %sub3A_40 : vector<16xi32>
          %jit3A_685 = arith.constant 1 : i32
          %jit3A_686 = arith.constant 0 : i32
          %broadcast_in_dim3A_687 = vector.broadcast %jit3A_685 : i32 to vector<16xi32>
          %broadcast_in_dim3A_688 = vector.broadcast %jit3A_686 : i32 to vector<16xi32>
          %select_n3A_689 = arith.select %ge3A, %broadcast_in_dim3A_687, %broadcast_in_dim3A_688 : vector<16xi1>, vector<16xi32>
          %add3A_690 = arith.addi %scan3A_585, %select_n3A_689 : vector<16xi32>
          %ge3A_691 = arith.cmpi sge, %get3A_684, %sub3A_71 : vector<16xi32>
          %jit3A_692 = arith.constant 1 : i32
          %jit3A_693 = arith.constant 0 : i32
          %broadcast_in_dim3A_694 = vector.broadcast %jit3A_692 : i32 to vector<16xi32>
          %broadcast_in_dim3A_695 = vector.broadcast %jit3A_693 : i32 to vector<16xi32>
          %select_n3A_696 = arith.select %ge3A_691, %broadcast_in_dim3A_694, %broadcast_in_dim3A_695 : vector<16xi1>, vector<16xi32>
          %add3A_697 = arith.addi %scan3A_586, %select_n3A_696 : vector<16xi32>
          %ge3A_698 = arith.cmpi sge, %get3A_684, %sub3A_102 : vector<16xi32>
          %jit3A_699 = arith.constant 1 : i32
          %jit3A_700 = arith.constant 0 : i32
          %broadcast_in_dim3A_701 = vector.broadcast %jit3A_699 : i32 to vector<16xi32>
          %broadcast_in_dim3A_702 = vector.broadcast %jit3A_700 : i32 to vector<16xi32>
          %select_n3A_703 = arith.select %ge3A_698, %broadcast_in_dim3A_701, %broadcast_in_dim3A_702 : vector<16xi1>, vector<16xi32>
          %add3A_704 = arith.addi %scan3A_587, %select_n3A_703 : vector<16xi32>
          %ge3A_705 = arith.cmpi sge, %get3A_684, %sub3A_133 : vector<16xi32>
          %jit3A_706 = arith.constant 1 : i32
          %jit3A_707 = arith.constant 0 : i32
          %broadcast_in_dim3A_708 = vector.broadcast %jit3A_706 : i32 to vector<16xi32>
          %broadcast_in_dim3A_709 = vector.broadcast %jit3A_707 : i32 to vector<16xi32>
          %select_n3A_710 = arith.select %ge3A_705, %broadcast_in_dim3A_708, %broadcast_in_dim3A_709 : vector<16xi1>, vector<16xi32>
          %add3A_711 = arith.addi %scan3A_588, %select_n3A_710 : vector<16xi32>
          %ge3A_712 = arith.cmpi sge, %get3A_684, %sub3A_164 : vector<16xi32>
          %jit3A_713 = arith.constant 1 : i32
          %jit3A_714 = arith.constant 0 : i32
          %broadcast_in_dim3A_715 = vector.broadcast %jit3A_713 : i32 to vector<16xi32>
          %broadcast_in_dim3A_716 = vector.broadcast %jit3A_714 : i32 to vector<16xi32>
          %select_n3A_717 = arith.select %ge3A_712, %broadcast_in_dim3A_715, %broadcast_in_dim3A_716 : vector<16xi1>, vector<16xi32>
          %add3A_718 = arith.addi %scan3A_589, %select_n3A_717 : vector<16xi32>
          %ge3A_719 = arith.cmpi sge, %get3A_684, %sub3A_195 : vector<16xi32>
          %jit3A_720 = arith.constant 1 : i32
          %jit3A_721 = arith.constant 0 : i32
          %broadcast_in_dim3A_722 = vector.broadcast %jit3A_720 : i32 to vector<16xi32>
          %broadcast_in_dim3A_723 = vector.broadcast %jit3A_721 : i32 to vector<16xi32>
          %select_n3A_724 = arith.select %ge3A_719, %broadcast_in_dim3A_722, %broadcast_in_dim3A_723 : vector<16xi1>, vector<16xi32>
          %add3A_725 = arith.addi %scan3A_590, %select_n3A_724 : vector<16xi32>
          %ge3A_726 = arith.cmpi sge, %get3A_684, %sub3A_226 : vector<16xi32>
          %jit3A_727 = arith.constant 1 : i32
          %jit3A_728 = arith.constant 0 : i32
          %broadcast_in_dim3A_729 = vector.broadcast %jit3A_727 : i32 to vector<16xi32>
          %broadcast_in_dim3A_730 = vector.broadcast %jit3A_728 : i32 to vector<16xi32>
          %select_n3A_731 = arith.select %ge3A_726, %broadcast_in_dim3A_729, %broadcast_in_dim3A_730 : vector<16xi1>, vector<16xi32>
          %add3A_732 = arith.addi %scan3A_591, %select_n3A_731 : vector<16xi32>
          scf.yield %add3A_690, %add3A_697, %add3A_704, %add3A_711, %add3A_718, %add3A_725, %add3A_732 : vector<16xi32>, vector<16xi32>, vector<16xi32>, vector<16xi32>, vector<16xi32>, vector<16xi32>, vector<16xi32>
        }
        %scan3A_580 = arith.constant 128 : i32
        %mul3A_581 = arith.constant 4 : i32
        %mul3A_582 = arith.muli %mul3A_558, %mul3A_581 : i32
        %dma_start3A = tpu.memref_slice %arg5[%mul3A_582] : memref<25600000xf32, #tpu.memory_space<hbm>> -> memref<8192xf32, #tpu.memory_space<hbm>>
        %dma_start3A_583 = tpu.memref_slice %arg5[%mul3A_582] : memref<25600000xf32, #tpu.memory_space<hbm>> -> memref<8192xf32, #tpu.memory_space<hbm>>
        tpu.enqueue_dma source(%arg16 : memref<8192xf32, #tpu.memory_space<vmem>>) target(%dma_start3A_583 : memref<8192xf32, #tpu.memory_space<hbm>>) target_semaphore(%arg22 : memref<!tpu.dma_semaphore, #tpu.memory_space<semaphore_mem>>)
        scf.yield %scan3A_579#0, %scan3A_579#1, %scan3A_579#2, %scan3A_579#3, %scan3A_579#4, %scan3A_579#5, %scan3A_579#6 : vector<16xi32>, vector<16xi32>, vector<16xi32>, vector<16xi32>, vector<16xi32>, vector<16xi32>, vector<16xi32>
      } else {
        scf.yield %cond3A_543#0, %cond3A_543#1, %cond3A_543#2, %cond3A_543#3, %cond3A_543#4, %cond3A_543#5, %cond3A_543#6 : vector<16xi32>, vector<16xi32>, vector<16xi32>, vector<16xi32>, vector<16xi32>, vector<16xi32>, vector<16xi32>
      }
      scf.yield %cond3A_554#0, %cond3A_554#1, %cond3A_554#2, %cond3A_554#3, %cond3A_554#4, %cond3A_554#5, %cond3A_554#6 : vector<16xi32>, vector<16xi32>, vector<16xi32>, vector<16xi32>, vector<16xi32>, vector<16xi32>, vector<16xi32>
    }
    %scan3A_242 = arith.constant 49 : i32
    %dma_wait3A = arith.constant 0 : i32
    %dma_wait3A_243 = tpu.memref_slice %arg5[%dma_wait3A] : memref<25600000xf32, #tpu.memory_space<hbm>> -> memref<8192xf32, #tpu.memory_space<hbm>>
    %dma_wait3A_244 = arith.constant 0 : i32
    %dma_wait3A_245 = tpu.memref_slice %arg5[%dma_wait3A_244] : memref<25600000xf32, #tpu.memory_space<hbm>> -> memref<8192xf32, #tpu.memory_space<hbm>>
    tpu.wait_dma2 semaphore(%arg21 : memref<!tpu.dma_semaphore, #tpu.memory_space<semaphore_mem>>) src(%arg15 : memref<8192xf32, #tpu.memory_space<vmem>>) dst(%dma_wait3A_245 : memref<8192xf32, #tpu.memory_space<hbm>>)
    %dma_wait3A_246 = arith.constant 0 : i32
    %dma_wait3A_247 = tpu.memref_slice %arg5[%dma_wait3A_246] : memref<25600000xf32, #tpu.memory_space<hbm>> -> memref<8192xf32, #tpu.memory_space<hbm>>
    %dma_wait3A_248 = arith.constant 0 : i32
    %dma_wait3A_249 = tpu.memref_slice %arg5[%dma_wait3A_248] : memref<25600000xf32, #tpu.memory_space<hbm>> -> memref<8192xf32, #tpu.memory_space<hbm>>
    tpu.wait_dma2 semaphore(%arg22 : memref<!tpu.dma_semaphore, #tpu.memory_space<semaphore_mem>>) src(%arg16 : memref<8192xf32, #tpu.memory_space<vmem>>) dst(%dma_wait3A_249 : memref<8192xf32, #tpu.memory_space<hbm>>)
    %xor3A_250 = arith.constant 8 : i32
    %xor3A_251 = vector.broadcast %xor3A_250 : i32 to vector<16xi32>
    %xor3A_252 = arith.xori %iota3A, %xor3A_251 : vector<16xi32>
    %broadcast_in_dim3A_253 = vector.shape_cast %xor3A_252 : vector<16xi32> to vector<16x1xi32>
    %gather3A_254 = vector.shape_cast %broadcast_in_dim3A_253 : vector<16x1xi32> to vector<16xi32>
    %gather3A_255 = tpu.dynamic_gather %scan3A_241#0[%gather3A_254] in [0] : vector<16xi32>, vector<16xi32> -> vector<16xi32>
    %add3A_256 = arith.addi %scan3A_241#0, %gather3A_255 : vector<16xi32>
    %xor3A_257 = arith.constant 4 : i32
    %xor3A_258 = vector.broadcast %xor3A_257 : i32 to vector<16xi32>
    %xor3A_259 = arith.xori %iota3A, %xor3A_258 : vector<16xi32>
    %broadcast_in_dim3A_260 = vector.shape_cast %xor3A_259 : vector<16xi32> to vector<16x1xi32>
    %gather3A_261 = vector.shape_cast %broadcast_in_dim3A_260 : vector<16x1xi32> to vector<16xi32>
    %gather3A_262 = tpu.dynamic_gather %add3A_256[%gather3A_261] in [0] : vector<16xi32>, vector<16xi32> -> vector<16xi32>
    %add3A_263 = arith.addi %add3A_256, %gather3A_262 : vector<16xi32>
    %xor3A_264 = arith.constant 2 : i32
    %xor3A_265 = vector.broadcast %xor3A_264 : i32 to vector<16xi32>
    %xor3A_266 = arith.xori %iota3A, %xor3A_265 : vector<16xi32>
    %broadcast_in_dim3A_267 = vector.shape_cast %xor3A_266 : vector<16xi32> to vector<16x1xi32>
    %gather3A_268 = vector.shape_cast %broadcast_in_dim3A_267 : vector<16x1xi32> to vector<16xi32>
    %gather3A_269 = tpu.dynamic_gather %add3A_263[%gather3A_268] in [0] : vector<16xi32>, vector<16xi32> -> vector<16xi32>
    %add3A_270 = arith.addi %add3A_263, %gather3A_269 : vector<16xi32>
    %xor3A_271 = arith.constant 1 : i32
    %xor3A_272 = vector.broadcast %xor3A_271 : i32 to vector<16xi32>
    %xor3A_273 = arith.xori %iota3A, %xor3A_272 : vector<16xi32>
    %broadcast_in_dim3A_274 = vector.shape_cast %xor3A_273 : vector<16xi32> to vector<16x1xi32>
    %gather3A_275 = vector.shape_cast %broadcast_in_dim3A_274 : vector<16x1xi32> to vector<16xi32>
    %gather3A_276 = tpu.dynamic_gather %add3A_270[%gather3A_275] in [0] : vector<16xi32>, vector<16xi32> -> vector<16xi32>
    %add3A_277 = arith.addi %add3A_270, %gather3A_276 : vector<16xi32>
    %xor3A_278 = arith.constant 8 : i32
    %xor3A_279 = vector.broadcast %xor3A_278 : i32 to vector<16xi32>
    %xor3A_280 = arith.xori %iota3A, %xor3A_279 : vector<16xi32>
    %broadcast_in_dim3A_281 = vector.shape_cast %xor3A_280 : vector<16xi32> to vector<16x1xi32>
    %gather3A_282 = vector.shape_cast %broadcast_in_dim3A_281 : vector<16x1xi32> to vector<16xi32>
    %gather3A_283 = tpu.dynamic_gather %scan3A_241#1[%gather3A_282] in [0] : vector<16xi32>, vector<16xi32> -> vector<16xi32>
    %add3A_284 = arith.addi %scan3A_241#1, %gather3A_283 : vector<16xi32>
    %xor3A_285 = arith.constant 4 : i32
    %xor3A_286 = vector.broadcast %xor3A_285 : i32 to vector<16xi32>
    %xor3A_287 = arith.xori %iota3A, %xor3A_286 : vector<16xi32>
    %broadcast_in_dim3A_288 = vector.shape_cast %xor3A_287 : vector<16xi32> to vector<16x1xi32>
    %gather3A_289 = vector.shape_cast %broadcast_in_dim3A_288 : vector<16x1xi32> to vector<16xi32>
    %gather3A_290 = tpu.dynamic_gather %add3A_284[%gather3A_289] in [0] : vector<16xi32>, vector<16xi32> -> vector<16xi32>
    %add3A_291 = arith.addi %add3A_284, %gather3A_290 : vector<16xi32>
    %xor3A_292 = arith.constant 2 : i32
    %xor3A_293 = vector.broadcast %xor3A_292 : i32 to vector<16xi32>
    %xor3A_294 = arith.xori %iota3A, %xor3A_293 : vector<16xi32>
    %broadcast_in_dim3A_295 = vector.shape_cast %xor3A_294 : vector<16xi32> to vector<16x1xi32>
    %gather3A_296 = vector.shape_cast %broadcast_in_dim3A_295 : vector<16x1xi32> to vector<16xi32>
    %gather3A_297 = tpu.dynamic_gather %add3A_291[%gather3A_296] in [0] : vector<16xi32>, vector<16xi32> -> vector<16xi32>
    %add3A_298 = arith.addi %add3A_291, %gather3A_297 : vector<16xi32>
    %xor3A_299 = arith.constant 1 : i32
    %xor3A_300 = vector.broadcast %xor3A_299 : i32 to vector<16xi32>
    %xor3A_301 = arith.xori %iota3A, %xor3A_300 : vector<16xi32>
    %broadcast_in_dim3A_302 = vector.shape_cast %xor3A_301 : vector<16xi32> to vector<16x1xi32>
    %gather3A_303 = vector.shape_cast %broadcast_in_dim3A_302 : vector<16x1xi32> to vector<16xi32>
    %gather3A_304 = tpu.dynamic_gather %add3A_298[%gather3A_303] in [0] : vector<16xi32>, vector<16xi32> -> vector<16xi32>
    %add3A_305 = arith.addi %add3A_298, %gather3A_304 : vector<16xi32>
    %xor3A_306 = arith.constant 8 : i32
    %xor3A_307 = vector.broadcast %xor3A_306 : i32 to vector<16xi32>
    %xor3A_308 = arith.xori %iota3A, %xor3A_307 : vector<16xi32>
    %broadcast_in_dim3A_309 = vector.shape_cast %xor3A_308 : vector<16xi32> to vector<16x1xi32>
    %gather3A_310 = vector.shape_cast %broadcast_in_dim3A_309 : vector<16x1xi32> to vector<16xi32>
    %gather3A_311 = tpu.dynamic_gather %scan3A_241#2[%gather3A_310] in [0] : vector<16xi32>, vector<16xi32> -> vector<16xi32>
    %add3A_312 = arith.addi %scan3A_241#2, %gather3A_311 : vector<16xi32>
    %xor3A_313 = arith.constant 4 : i32
    %xor3A_314 = vector.broadcast %xor3A_313 : i32 to vector<16xi32>
    %xor3A_315 = arith.xori %iota3A, %xor3A_314 : vector<16xi32>
    %broadcast_in_dim3A_316 = vector.shape_cast %xor3A_315 : vector<16xi32> to vector<16x1xi32>
    %gather3A_317 = vector.shape_cast %broadcast_in_dim3A_316 : vector<16x1xi32> to vector<16xi32>
    %gather3A_318 = tpu.dynamic_gather %add3A_312[%gather3A_317] in [0] : vector<16xi32>, vector<16xi32> -> vector<16xi32>
    %add3A_319 = arith.addi %add3A_312, %gather3A_318 : vector<16xi32>
    %xor3A_320 = arith.constant 2 : i32
    %xor3A_321 = vector.broadcast %xor3A_320 : i32 to vector<16xi32>
    %xor3A_322 = arith.xori %iota3A, %xor3A_321 : vector<16xi32>
    %broadcast_in_dim3A_323 = vector.shape_cast %xor3A_322 : vector<16xi32> to vector<16x1xi32>
    %gather3A_324 = vector.shape_cast %broadcast_in_dim3A_323 : vector<16x1xi32> to vector<16xi32>
    %gather3A_325 = tpu.dynamic_gather %add3A_319[%gather3A_324] in [0] : vector<16xi32>, vector<16xi32> -> vector<16xi32>
    %add3A_326 = arith.addi %add3A_319, %gather3A_325 : vector<16xi32>
    %xor3A_327 = arith.constant 1 : i32
    %xor3A_328 = vector.broadcast %xor3A_327 : i32 to vector<16xi32>
    %xor3A_329 = arith.xori %iota3A, %xor3A_328 : vector<16xi32>
    %broadcast_in_dim3A_330 = vector.shape_cast %xor3A_329 : vector<16xi32> to vector<16x1xi32>
    %gather3A_331 = vector.shape_cast %broadcast_in_dim3A_330 : vector<16x1xi32> to vector<16xi32>
    %gather3A_332 = tpu.dynamic_gather %add3A_326[%gather3A_331] in [0] : vector<16xi32>, vector<16xi32> -> vector<16xi32>
    %add3A_333 = arith.addi %add3A_326, %gather3A_332 : vector<16xi32>
    %xor3A_334 = arith.constant 8 : i32
    %xor3A_335 = vector.broadcast %xor3A_334 : i32 to vector<16xi32>
    %xor3A_336 = arith.xori %iota3A, %xor3A_335 : vector<16xi32>
    %broadcast_in_dim3A_337 = vector.shape_cast %xor3A_336 : vector<16xi32> to vector<16x1xi32>
    %gather3A_338 = vector.shape_cast %broadcast_in_dim3A_337 : vector<16x1xi32> to vector<16xi32>
    %gather3A_339 = tpu.dynamic_gather %scan3A_241#3[%gather3A_338] in [0] : vector<16xi32>, vector<16xi32> -> vector<16xi32>
    %add3A_340 = arith.addi %scan3A_241#3, %gather3A_339 : vector<16xi32>
    %xor3A_341 = arith.constant 4 : i32
    %xor3A_342 = vector.broadcast %xor3A_341 : i32 to vector<16xi32>
    %xor3A_343 = arith.xori %iota3A, %xor3A_342 : vector<16xi32>
    %broadcast_in_dim3A_344 = vector.shape_cast %xor3A_343 : vector<16xi32> to vector<16x1xi32>
    %gather3A_345 = vector.shape_cast %broadcast_in_dim3A_344 : vector<16x1xi32> to vector<16xi32>
    %gather3A_346 = tpu.dynamic_gather %add3A_340[%gather3A_345] in [0] : vector<16xi32>, vector<16xi32> -> vector<16xi32>
    %add3A_347 = arith.addi %add3A_340, %gather3A_346 : vector<16xi32>
    %xor3A_348 = arith.constant 2 : i32
    %xor3A_349 = vector.broadcast %xor3A_348 : i32 to vector<16xi32>
    %xor3A_350 = arith.xori %iota3A, %xor3A_349 : vector<16xi32>
    %broadcast_in_dim3A_351 = vector.shape_cast %xor3A_350 : vector<16xi32> to vector<16x1xi32>
    %gather3A_352 = vector.shape_cast %broadcast_in_dim3A_351 : vector<16x1xi32> to vector<16xi32>
    %gather3A_353 = tpu.dynamic_gather %add3A_347[%gather3A_352] in [0] : vector<16xi32>, vector<16xi32> -> vector<16xi32>
    %add3A_354 = arith.addi %add3A_347, %gather3A_353 : vector<16xi32>
    %xor3A_355 = arith.constant 1 : i32
    %xor3A_356 = vector.broadcast %xor3A_355 : i32 to vector<16xi32>
    %xor3A_357 = arith.xori %iota3A, %xor3A_356 : vector<16xi32>
    %broadcast_in_dim3A_358 = vector.shape_cast %xor3A_357 : vector<16xi32> to vector<16x1xi32>
    %gather3A_359 = vector.shape_cast %broadcast_in_dim3A_358 : vector<16x1xi32> to vector<16xi32>
    %gather3A_360 = tpu.dynamic_gather %add3A_354[%gather3A_359] in [0] : vector<16xi32>, vector<16xi32> -> vector<16xi32>
    %add3A_361 = arith.addi %add3A_354, %gather3A_360 : vector<16xi32>
    %xor3A_362 = arith.constant 8 : i32
    %xor3A_363 = vector.broadcast %xor3A_362 : i32 to vector<16xi32>
    %xor3A_364 = arith.xori %iota3A, %xor3A_363 : vector<16xi32>
    %broadcast_in_dim3A_365 = vector.shape_cast %xor3A_364 : vector<16xi32> to vector<16x1xi32>
    %gather3A_366 = vector.shape_cast %broadcast_in_dim3A_365 : vector<16x1xi32> to vector<16xi32>
    %gather3A_367 = tpu.dynamic_gather %scan3A_241#4[%gather3A_366] in [0] : vector<16xi32>, vector<16xi32> -> vector<16xi32>
    %add3A_368 = arith.addi %scan3A_241#4, %gather3A_367 : vector<16xi32>
    %xor3A_369 = arith.constant 4 : i32
    %xor3A_370 = vector.broadcast %xor3A_369 : i32 to vector<16xi32>
    %xor3A_371 = arith.xori %iota3A, %xor3A_370 : vector<16xi32>
    %broadcast_in_dim3A_372 = vector.shape_cast %xor3A_371 : vector<16xi32> to vector<16x1xi32>
    %gather3A_373 = vector.shape_cast %broadcast_in_dim3A_372 : vector<16x1xi32> to vector<16xi32>
    %gather3A_374 = tpu.dynamic_gather %add3A_368[%gather3A_373] in [0] : vector<16xi32>, vector<16xi32> -> vector<16xi32>
    %add3A_375 = arith.addi %add3A_368, %gather3A_374 : vector<16xi32>
    %xor3A_376 = arith.constant 2 : i32
    %xor3A_377 = vector.broadcast %xor3A_376 : i32 to vector<16xi32>
    %xor3A_378 = arith.xori %iota3A, %xor3A_377 : vector<16xi32>
    %broadcast_in_dim3A_379 = vector.shape_cast %xor3A_378 : vector<16xi32> to vector<16x1xi32>
    %gather3A_380 = vector.shape_cast %broadcast_in_dim3A_379 : vector<16x1xi32> to vector<16xi32>
    %gather3A_381 = tpu.dynamic_gather %add3A_375[%gather3A_380] in [0] : vector<16xi32>, vector<16xi32> -> vector<16xi32>
    %add3A_382 = arith.addi %add3A_375, %gather3A_381 : vector<16xi32>
    %xor3A_383 = arith.constant 1 : i32
    %xor3A_384 = vector.broadcast %xor3A_383 : i32 to vector<16xi32>
    %xor3A_385 = arith.xori %iota3A, %xor3A_384 : vector<16xi32>
    %broadcast_in_dim3A_386 = vector.shape_cast %xor3A_385 : vector<16xi32> to vector<16x1xi32>
    %gather3A_387 = vector.shape_cast %broadcast_in_dim3A_386 : vector<16x1xi32> to vector<16xi32>
    %gather3A_388 = tpu.dynamic_gather %add3A_382[%gather3A_387] in [0] : vector<16xi32>, vector<16xi32> -> vector<16xi32>
    %add3A_389 = arith.addi %add3A_382, %gather3A_388 : vector<16xi32>
    %xor3A_390 = arith.constant 8 : i32
    %xor3A_391 = vector.broadcast %xor3A_390 : i32 to vector<16xi32>
    %xor3A_392 = arith.xori %iota3A, %xor3A_391 : vector<16xi32>
    %broadcast_in_dim3A_393 = vector.shape_cast %xor3A_392 : vector<16xi32> to vector<16x1xi32>
    %gather3A_394 = vector.shape_cast %broadcast_in_dim3A_393 : vector<16x1xi32> to vector<16xi32>
    %gather3A_395 = tpu.dynamic_gather %scan3A_241#5[%gather3A_394] in [0] : vector<16xi32>, vector<16xi32> -> vector<16xi32>
    %add3A_396 = arith.addi %scan3A_241#5, %gather3A_395 : vector<16xi32>
    %xor3A_397 = arith.constant 4 : i32
    %xor3A_398 = vector.broadcast %xor3A_397 : i32 to vector<16xi32>
    %xor3A_399 = arith.xori %iota3A, %xor3A_398 : vector<16xi32>
    %broadcast_in_dim3A_400 = vector.shape_cast %xor3A_399 : vector<16xi32> to vector<16x1xi32>
    %gather3A_401 = vector.shape_cast %broadcast_in_dim3A_400 : vector<16x1xi32> to vector<16xi32>
    %gather3A_402 = tpu.dynamic_gather %add3A_396[%gather3A_401] in [0] : vector<16xi32>, vector<16xi32> -> vector<16xi32>
    %add3A_403 = arith.addi %add3A_396, %gather3A_402 : vector<16xi32>
    %xor3A_404 = arith.constant 2 : i32
    %xor3A_405 = vector.broadcast %xor3A_404 : i32 to vector<16xi32>
    %xor3A_406 = arith.xori %iota3A, %xor3A_405 : vector<16xi32>
    %broadcast_in_dim3A_407 = vector.shape_cast %xor3A_406 : vector<16xi32> to vector<16x1xi32>
    %gather3A_408 = vector.shape_cast %broadcast_in_dim3A_407 : vector<16x1xi32> to vector<16xi32>
    %gather3A_409 = tpu.dynamic_gather %add3A_403[%gather3A_408] in [0] : vector<16xi32>, vector<16xi32> -> vector<16xi32>
    %add3A_410 = arith.addi %add3A_403, %gather3A_409 : vector<16xi32>
    %xor3A_411 = arith.constant 1 : i32
    %xor3A_412 = vector.broadcast %xor3A_411 : i32 to vector<16xi32>
    %xor3A_413 = arith.xori %iota3A, %xor3A_412 : vector<16xi32>
    %broadcast_in_dim3A_414 = vector.shape_cast %xor3A_413 : vector<16xi32> to vector<16x1xi32>
    %gather3A_415 = vector.shape_cast %broadcast_in_dim3A_414 : vector<16x1xi32> to vector<16xi32>
    %gather3A_416 = tpu.dynamic_gather %add3A_410[%gather3A_415] in [0] : vector<16xi32>, vector<16xi32> -> vector<16xi32>
    %add3A_417 = arith.addi %add3A_410, %gather3A_416 : vector<16xi32>
    %xor3A_418 = arith.constant 8 : i32
    %xor3A_419 = vector.broadcast %xor3A_418 : i32 to vector<16xi32>
    %xor3A_420 = arith.xori %iota3A, %xor3A_419 : vector<16xi32>
    %broadcast_in_dim3A_421 = vector.shape_cast %xor3A_420 : vector<16xi32> to vector<16x1xi32>
    %gather3A_422 = vector.shape_cast %broadcast_in_dim3A_421 : vector<16x1xi32> to vector<16xi32>
    %gather3A_423 = tpu.dynamic_gather %scan3A_241#6[%gather3A_422] in [0] : vector<16xi32>, vector<16xi32> -> vector<16xi32>
    %add3A_424 = arith.addi %scan3A_241#6, %gather3A_423 : vector<16xi32>
    %xor3A_425 = arith.constant 4 : i32
    %xor3A_426 = vector.broadcast %xor3A_425 : i32 to vector<16xi32>
    %xor3A_427 = arith.xori %iota3A, %xor3A_426 : vector<16xi32>
    %broadcast_in_dim3A_428 = vector.shape_cast %xor3A_427 : vector<16xi32> to vector<16x1xi32>
    %gather3A_429 = vector.shape_cast %broadcast_in_dim3A_428 : vector<16x1xi32> to vector<16xi32>
    %gather3A_430 = tpu.dynamic_gather %add3A_424[%gather3A_429] in [0] : vector<16xi32>, vector<16xi32> -> vector<16xi32>
    %add3A_431 = arith.addi %add3A_424, %gather3A_430 : vector<16xi32>
    %xor3A_432 = arith.constant 2 : i32
    %xor3A_433 = vector.broadcast %xor3A_432 : i32 to vector<16xi32>
    %xor3A_434 = arith.xori %iota3A, %xor3A_433 : vector<16xi32>
    %broadcast_in_dim3A_435 = vector.shape_cast %xor3A_434 : vector<16xi32> to vector<16x1xi32>
    %gather3A_436 = vector.shape_cast %broadcast_in_dim3A_435 : vector<16x1xi32> to vector<16xi32>
    %gather3A_437 = tpu.dynamic_gather %add3A_431[%gather3A_436] in [0] : vector<16xi32>, vector<16xi32> -> vector<16xi32>
    %add3A_438 = arith.addi %add3A_431, %gather3A_437 : vector<16xi32>
    %xor3A_439 = arith.constant 1 : i32
    %xor3A_440 = vector.broadcast %xor3A_439 : i32 to vector<16xi32>
    %xor3A_441 = arith.xori %iota3A, %xor3A_440 : vector<16xi32>
    %broadcast_in_dim3A_442 = vector.shape_cast %xor3A_441 : vector<16xi32> to vector<16x1xi32>
    %gather3A_443 = vector.shape_cast %broadcast_in_dim3A_442 : vector<16x1xi32> to vector<16xi32>
    %gather3A_444 = tpu.dynamic_gather %add3A_438[%gather3A_443] in [0] : vector<16xi32>, vector<16xi32> -> vector<16xi32>
    %add3A_445 = arith.addi %add3A_438, %gather3A_444 : vector<16xi32>
    %broadcast_in_dim3A_446 = arith.constant 0 : i32
    %broadcast_in_dim3A_447 = vector.broadcast %broadcast_in_dim3A_446 : i32 to vector<16xi32>
    %eq3A = arith.constant 7 : i32
    %eq3A_448 = vector.broadcast %eq3A : i32 to vector<16xi32>
    %eq3A_449 = arith.cmpi eq, %iota3A, %eq3A_448 : vector<16xi32>
    %sub3A_450 = arith.subi %add3A_445, %broadcast_in_dim3A_1 : vector<16xi32>
    %jit3A = arith.constant 0 : i32
    %broadcast_in_dim3A_451 = vector.broadcast %jit3A : i32 to vector<16xi32>
    %select_n3A = arith.select %eq3A_449, %sub3A_450, %broadcast_in_dim3A_451 : vector<16xi1>, vector<16xi32>
    %add3A_452 = arith.addi %broadcast_in_dim3A_447, %select_n3A : vector<16xi32>
    %eq3A_453 = arith.constant 6 : i32
    %eq3A_454 = vector.broadcast %eq3A_453 : i32 to vector<16xi32>
    %eq3A_455 = arith.cmpi eq, %iota3A, %eq3A_454 : vector<16xi32>
    %sub3A_456 = arith.subi %add3A_417, %add3A_445 : vector<16xi32>
    %jit3A_457 = arith.constant 0 : i32
    %broadcast_in_dim3A_458 = vector.broadcast %jit3A_457 : i32 to vector<16xi32>
    %select_n3A_459 = arith.select %eq3A_455, %sub3A_456, %broadcast_in_dim3A_458 : vector<16xi1>, vector<16xi32>
    %add3A_460 = arith.addi %add3A_452, %select_n3A_459 : vector<16xi32>
    %eq3A_461 = arith.constant 5 : i32
    %eq3A_462 = vector.broadcast %eq3A_461 : i32 to vector<16xi32>
    %eq3A_463 = arith.cmpi eq, %iota3A, %eq3A_462 : vector<16xi32>
    %sub3A_464 = arith.subi %add3A_389, %add3A_417 : vector<16xi32>
    %jit3A_465 = arith.constant 0 : i32
    %broadcast_in_dim3A_466 = vector.broadcast %jit3A_465 : i32 to vector<16xi32>
    %select_n3A_467 = arith.select %eq3A_463, %sub3A_464, %broadcast_in_dim3A_466 : vector<16xi1>, vector<16xi32>
    %add3A_468 = arith.addi %add3A_460, %select_n3A_467 : vector<16xi32>
    %eq3A_469 = arith.constant 4 : i32
    %eq3A_470 = vector.broadcast %eq3A_469 : i32 to vector<16xi32>
    %eq3A_471 = arith.cmpi eq, %iota3A, %eq3A_470 : vector<16xi32>
    %sub3A_472 = arith.subi %add3A_361, %add3A_389 : vector<16xi32>
    %jit3A_473 = arith.constant 0 : i32
    %broadcast_in_dim3A_474 = vector.broadcast %jit3A_473 : i32 to vector<16xi32>
    %select_n3A_475 = arith.select %eq3A_471, %sub3A_472, %broadcast_in_dim3A_474 : vector<16xi1>, vector<16xi32>
    %add3A_476 = arith.addi %add3A_468, %select_n3A_475 : vector<16xi32>
    %eq3A_477 = arith.constant 3 : i32
    %eq3A_478 = vector.broadcast %eq3A_477 : i32 to vector<16xi32>
    %eq3A_479 = arith.cmpi eq, %iota3A, %eq3A_478 : vector<16xi32>
    %sub3A_480 = arith.subi %add3A_333, %add3A_361 : vector<16xi32>
    %jit3A_481 = arith.constant 0 : i32
    %broadcast_in_dim3A_482 = vector.broadcast %jit3A_481 : i32 to vector<16xi32>
    %select_n3A_483 = arith.select %eq3A_479, %sub3A_480, %broadcast_in_dim3A_482 : vector<16xi1>, vector<16xi32>
    %add3A_484 = arith.addi %add3A_476, %select_n3A_483 : vector<16xi32>
    %eq3A_485 = arith.constant 2 : i32
    %eq3A_486 = vector.broadcast %eq3A_485 : i32 to vector<16xi32>
    %eq3A_487 = arith.cmpi eq, %iota3A, %eq3A_486 : vector<16xi32>
    %sub3A_488 = arith.subi %add3A_305, %add3A_333 : vector<16xi32>
    %jit3A_489 = arith.constant 0 : i32
    %broadcast_in_dim3A_490 = vector.broadcast %jit3A_489 : i32 to vector<16xi32>
    %select_n3A_491 = arith.select %eq3A_487, %sub3A_488, %broadcast_in_dim3A_490 : vector<16xi1>, vector<16xi32>
    %add3A_492 = arith.addi %add3A_484, %select_n3A_491 : vector<16xi32>
    %eq3A_493 = arith.constant 1 : i32
    %eq3A_494 = vector.broadcast %eq3A_493 : i32 to vector<16xi32>
    %eq3A_495 = arith.cmpi eq, %iota3A, %eq3A_494 : vector<16xi32>
    %sub3A_496 = arith.subi %add3A_277, %add3A_305 : vector<16xi32>
    %jit3A_497 = arith.constant 0 : i32
    %broadcast_in_dim3A_498 = vector.broadcast %jit3A_497 : i32 to vector<16xi32>
    %select_n3A_499 = arith.select %eq3A_495, %sub3A_496, %broadcast_in_dim3A_498 : vector<16xi1>, vector<16xi32>
    %add3A_500 = arith.addi %add3A_492, %select_n3A_499 : vector<16xi32>
    %lt3A = arith.constant 21 : i32
    %lt3A_501 = arith.cmpi slt, %add3A, %lt3A : i32
    %jit3A_502 = arith.constant 2048 : i32
    %jit3A_503 = arith.constant 0 : i32
    %select_n3A_504 = arith.select %lt3A_501, %jit3A_502, %jit3A_503 : i32
    %broadcast_in_dim3A_505 = arith.constant 198656 : i32
    %broadcast_in_dim3A_506 = vector.broadcast %broadcast_in_dim3A_505 : i32 to vector<16xi32>
    %add3A_507 = vector.broadcast %select_n3A_504 : i32 to vector<16xi32>
    %add3A_508 = arith.addi %broadcast_in_dim3A_506, %add3A_507 : vector<16xi32>
    %eq3A_509 = arith.constant 0 : i32
    %eq3A_510 = vector.broadcast %eq3A_509 : i32 to vector<16xi32>
    %eq3A_511 = arith.cmpi eq, %iota3A, %eq3A_510 : vector<16xi32>
    %sub3A_512 = arith.subi %add3A_508, %add3A_277 : vector<16xi32>
    %jit3A_513 = arith.constant 0 : i32
    %broadcast_in_dim3A_514 = vector.broadcast %jit3A_513 : i32 to vector<16xi32>
    %select_n3A_515 = arith.select %eq3A_511, %sub3A_512, %broadcast_in_dim3A_514 : vector<16xi1>, vector<16xi32>
    %add3A_516 = arith.addi %add3A_500, %select_n3A_515 : vector<16xi32>
    %swap3A = arith.constant 0 : index
    %swap3A_517 = tpu.vector_load %arg18[%swap3A] {strides = array<i32>} : memref<16xi32, #tpu.memory_space<vmem>>, vector<16xi32>,
    tpu.vector_store %arg18[%swap3A], %add3A_516 {strides = array<i32>} : memref<16xi32, #tpu.memory_space<vmem>>, vector<16xi32>,
    "tpu.region"() ({
      %run_scoped3A = tpu.sem_alloc : memref<!tpu.dma_semaphore, #tpu.memory_space<semaphore_mem>>
      %dma_start3A = arith.constant 0 : i32
      %dma_start3A_518 = tpu.memref_slice %arg6[%add3A, %dma_start3A] : memref<32x16xi32, #tpu.memory_space<hbm>> -> memref<1x16xi32, #tpu.memory_space<hbm>>
      %dma_start3A_519 = tpu.memref_squeeze %dma_start3A_518 : memref<1x16xi32, #tpu.memory_space<hbm>> -> memref<16xi32, #tpu.memory_space<hbm>>
      %dma_start3A_520 = arith.constant 0 : i32
      %dma_start3A_521 = tpu.memref_slice %arg6[%add3A, %dma_start3A_520] : memref<32x16xi32, #tpu.memory_space<hbm>> -> memref<1x16xi32, #tpu.memory_space<hbm>>
      %dma_start3A_522 = tpu.memref_squeeze %dma_start3A_521 : memref<1x16xi32, #tpu.memory_space<hbm>> -> memref<16xi32, #tpu.memory_space<hbm>>
      tpu.enqueue_dma source(%arg18 : memref<16xi32, #tpu.memory_space<vmem>>) target(%dma_start3A_522 : memref<16xi32, #tpu.memory_space<hbm>>) target_semaphore(%run_scoped3A : memref<!tpu.dma_semaphore, #tpu.memory_space<semaphore_mem>>)
      %dma_wait3A_523 = arith.constant 0 : i32
      %dma_wait3A_524 = tpu.memref_slice %arg6[%add3A, %dma_wait3A_523] : memref<32x16xi32, #tpu.memory_space<hbm>> -> memref<1x16xi32, #tpu.memory_space<hbm>>
      %dma_wait3A_525 = tpu.memref_squeeze %dma_wait3A_524 : memref<1x16xi32, #tpu.memory_space<hbm>> -> memref<16xi32, #tpu.memory_space<hbm>>
      %dma_wait3A_526 = arith.constant 0 : i32
      %dma_wait3A_527 = tpu.memref_slice %arg6[%add3A, %dma_wait3A_526] : memref<32x16xi32, #tpu.memory_space<hbm>> -> memref<1x16xi32, #tpu.memory_space<hbm>>
      %dma_wait3A_528 = tpu.memref_squeeze %dma_wait3A_527 : memref<1x16xi32, #tpu.memory_space<hbm>> -> memref<16xi32, #tpu.memory_space<hbm>>
      tpu.wait_dma2 semaphore(%run_scoped3A : memref<!tpu.dma_semaphore, #tpu.memory_space<semaphore_mem>>) src(%arg18 : memref<16xi32, #tpu.memory_space<vmem>>) dst(%dma_wait3A_528 : memref<16xi32, #tpu.memory_space<hbm>>)
      tpu.yield
    }) : () -> ()
    return
  }
}

</mosaic_0001>

<sc_bundles>
// kernel: kernel.3.cloned.1.call-start
scs
__scs_entry_jumppad:
0x0: {  	(pc) =	sbr.rel $0x88, $3  }
0x1: {  	(tag) =	ssettag $0x0;
	lr =	simm.s32 $0x1  }
0x2: {  	[smem:$0x3F9E] =	sst lr;
	_ =	strace $0xD0000000  }
0x3: {  	_ = 	snop  }
0x4: {  	_ = 	snop  }
0x5: {  	_ = 	snop  }
0x6: {  	_ = 	snop  }
0x7: {  	_ = 	snop  }
__scs_overlays_trampoline_lowered:
0x8: {  	[smem:$0x3FAD] =	sst s0  }
0x9: {  	[smem:$0x3FAE] =	sst s1  }
0xa: {  	[smem:$0x3FAF] =	sst s2  }
0xb: {  	[smem:$0x3FB0] =	sst s3  }
0xc: {  	[smem:$0x3FB1] =	sst s4  }
0xd: {  	[smem:$0x3FB2] =	sst s5  }
0xe: {  	[smem:$0x3FB3] =	sst s6  }
0xf: {  	[smem:$0x3FB4] =	sst s7  }
0x10: {  	[smem:$0x3FB5] =	sst s8  }
0x11: {  	[smem:$0x3FB6] =	sst s9;
	s0 =	simm.s32 @!p0 $0x0  }
0x12: {  	s1 =	sld [smem:$0x3F9C];
	s0 =	simm.s32 @p0 $0x1  }
0x13: {  	[smem:$0x3FB7] =	sst s0;
	s0 =	simm.s32 @!p1 $0x0  }
0x14: {  	s2 =	sld [smem:$0x3F9B];
	s0 =	simm.s32 @p1 $0x1  }
0x15: {  	[smem:$0x3FB8] =	sst s0;
	s0 =	simm.s32 @!p2 $0x0  }
0x16: {  	s3 =	sld [smem:$0x3FDB];
	s0 =	simm.s32 @p2 $0x1  }
0x17: {  	s4 =	simm.s32 $0x1BF5;
	[smem:$0x3FBA] =	sst s0  }
0x18: {  	s0 =	sld [smem:$0x3F9D];
	_ =	swait.ge [sflag:s4], $0x0  }
0x19: {  	s7 =	sld [smem:$0x3F9E]  }
0x1a: {  	s8 =	sadd.s32 $0xFFFFE003, lr  }
0x1b: {  	s9 =	sadd.s32 $0xFFFFFEF7, lr;
	s5 =	simm.s32 $0xFFFFFFFF;
	p2 =	slt.u32 s8, $0xFFFFF086  }
0x1c: {  	p1 =	slt.u32 s9, $0xF7A;
	s5 =	simm.s32 @!p2 $0x0  }
0x1d: {  	s5 =	simm.s32 @p1 $0x1;
	p0 =	seq.s32 s7, s2  }
0x1e: {  	s7 =	smul.u32 @!p0 $0xF7A, s2;
	p2 =	seq.s32 @!p0 s5, $0x0  }
0x1f: {  	s9 =	smul.u32 $0xF7A, s1;
	s8 =	simm.s32 @!p0 $0x1BF5;
	p2 =	por !p2, p0  }
0x20: {  	[sflag:s8] =	ssyncset.s32 @!p0 $0xFFFFF086;
	s6 =	sadd.s32 @!p0 s3, s7;
	s7 =	simm.s32 @!p0 $0x108  }
0x21: {  	s3 =	sadd.s32 s3, s9;
	s6 =	sadd.s32 @!p0 $0x88, s6;
	s7 =	simm.s32 @p2 $0x1082  }
0x22: {  	[simem:s7], [sflag:s8] =	dma.local @!p0 [hbm:s6], $0xF7A  }
0x23: {  	s9 =	sor.u32 $0xD0000000, s2;
	s6 =	simm.s32 $0x108;
	_ =	swait.ge @!p0 [sflag:s8], $0x0  }
0x24: {  	s3 =	sadd.s32 $0x88, s3;
	s6 =	simm.s32 @!p1 $0x1082;
	[sflag:s4] =	ssyncset.s32 $0xFFFFF086  }
0x25: {  	[simem:s6], [sflag:s4] =	dma.local [hbm:s3], $0xF7A  }
0x26: {  	[smem:$0x3F9E] =	sst s1;
	(tag) =	ssettag s2;
	_ =	strace s9  }
0x27: {  	s1 =	sld [smem:$0x3FAE]  }
0x28: {  	s2 =	sld [smem:$0x3FAF]  }
0x29: {  	s4 =	sld [smem:$0x3FB1]  }
0x2a: {  	p0 =	seq.s32 s5, $0x0;
	s5 =	sld [smem:$0x3FB2]  }
0x2b: {  	s6 =	sld [smem:$0x3FB3]  }
0x2c: {  	s7 =	sld [smem:$0x3FB4]  }
0x2d: {  	s3 =	simm.s32 $0x108;
	s8 =	sld [smem:$0x3FB5]  }
0x2e: {  	s3 =	simm.s32 @!p0 $0x1082;
	s9 =	sld [smem:$0x3FB6]  }
0x2f: {  	lr =	sadd.s32 s0, s3;
	s0 =	sld [smem:$0x3FAD]  }
0x30: {  	s3 =	sld [smem:$0x3FB0]  }
0x31: {  	[smem:$0x3FB9] =	sst s10  }
0x32: {  	s10 =	sld [smem:$0x3FB7];
	_ =	sdelay $0x3  }
0x33: {  	p0 =	seq.s32 s10, $0x1;
	s10 =	sld [smem:$0x3FB9];
	_ =	sdelay $0x3  }
0x34: {  	[smem:$0x3FB9] =	sst s10  }
0x35: {  	s10 =	sld [smem:$0x3FB8];
	_ =	sdelay $0x3  }
0x36: {  	p1 =	seq.s32 s10, $0x1;
	s10 =	sld [smem:$0x3FB9];
	_ =	sdelay $0x3  }
0x37: {  	[smem:$0x3FB9] =	sst s10  }
0x38: {  	s10 =	sld [smem:$0x3FBA]  }
0x39: {  	_ = 	snop;
	(pc) =	sbr.ind lr, $3  }
0x3a: {  	_ = 	snop  }
0x3b: {  	_ = 	snop  }
0x3c: {  	p2 =	seq.s32 s10, $0x1;
	s10 =	sld [smem:$0x3FB9]  }
0x3d: {  	_ =	shalt  }
0x3e: {  	_ =	shalt  }
0x3f: {  	_ =	shalt  }
0x40: {  	_ =	shalt  }
0x41: {  	_ =	shalt  }
0x42: {  	_ =	shalt  }
0x43: {  	_ =	shalt  }
0x44: {  	_ =	shalt  }
0x45: {  	_ =	shalt  }
0x46: {  	_ =	shalt  }
0x47: {  	_ =	shalt  }
0x48: {  	_ =	shalt  }
0x49: {  	_ =	shalt  }
0x4a: {  	_ =	shalt  }
0x4b: {  	_ =	shalt  }
0x4c: {  	_ =	shalt  }
0x4d: {  	_ =	shalt  }
0x4e: {  	_ =	shalt  }
0x4f: {  	_ =	shalt  }
0x50: {  	_ =	shalt  }
0x51: {  	_ =	shalt  }
0x52: {  	_ =	shalt  }
0x53: {  	_ =	shalt  }
0x54: {  	_ =	shalt  }
0x55: {  	_ =	shalt  }
0x56: {  	_ =	shalt  }
0x57: {  	_ =	shalt  }
0x58: {  	_ =	shalt  }
0x59: {  	_ =	shalt  }
0x5a: {  	_ =	shalt  }
0x5b: {  	_ =	shalt  }
0x5c: {  	_ =	shalt  }
0x5d: {  	_ =	shalt  }
0x5e: {  	_ =	shalt  }
0x5f: {  	_ =	shalt  }
0x60: {  	_ =	shalt  }
0x61: {  	_ =	shalt  }
0x62: {  	_ =	shalt  }
0x63: {  	_ =	shalt  }
0x64: {  	_ =	shalt  }
0x65: {  	_ =	shalt  }
0x66: {  	_ =	shalt  }
0x67: {  	_ =	shalt  }
0x68: {  	_ =	shalt  }
0x69: {  	_ =	shalt  }
0x6a: {  	_ =	shalt  }
0x6b: {  	_ =	shalt  }
0x6c: {  	_ =	shalt  }
0x6d: {  	_ =	shalt  }
0x6e: {  	_ =	shalt  }
0x6f: {  	_ =	shalt  }
0x70: {  	_ =	shalt  }
0x71: {  	_ =	shalt  }
0x72: {  	_ =	shalt  }
0x73: {  	_ =	shalt  }
0x74: {  	_ =	shalt  }
0x75: {  	_ =	shalt  }
0x76: {  	_ =	shalt  }
0x77: {  	_ =	shalt  }
0x78: {  	_ =	shalt  }
0x79: {  	_ =	shalt  }
0x7a: {  	_ =	shalt  }
0x7b: {  	_ =	shalt  }
0x7c: {  	_ =	shalt  }
0x7d: {  	_ =	shalt  }
0x7e: {  	_ =	shalt  }
0x7f: {  	_ =	shalt  }
0x80: {  	_ =	shalt  }
0x81: {  	_ =	shalt  }
0x82: {  	_ =	shalt  }
0x83: {  	_ =	shalt  }
0x84: {  	_ =	shalt  }
0x85: {  	_ =	shalt  }
0x86: {  	_ =	shalt  }
0x87: {  	_ =	shalt  }
.Lfunc_end0:
.L_simem_size_0:
called_computation.1_lowered:
.L_overlay_start_0:
0x88: {  	s2 =	sld [smem:$0x3FD9]  }
0x89: {  	s3 =	sld [smem:$0x3FFE];
	_ =	sdelay $0x1  }
0x8a: {  	s1 =	srdreg.scid  }
0x8b: {  	s0 =	sand.u32 $0x1, s1  }
0x8c: {  	s14 =	sshll.u32 s0, $0xA;
	s2 =	sadd.s32 s3, s2  }
0x8d: {  	s2 =	sadd.s32 s2, s14  }
0x8e: {  	[smem:$0x3FC5] =	sst s2  }
0x8f: {  	_ = 	snop  }
0x90: {  	s2 =	sld [smem:$0x3FD0];
	_ =	sdelay $0x2  }
0x91: {  	s4 =	simm.s32 $0xA;
	s5 =	simm.s32 $0x10;
	s15 =	sld [smem:$0x3FC7]  }
0x92: {  	[smem:s5], [sflag:s4] =	dma.local [hbm:s2], $0x1  }
0x93: {  	_ =	swait.eq [sflag:s4], $0x1  }
0x94: {  	s16 =	sld [smem:$0x10];
	[sflag:s4] =	ssyncset.done $0x0  }
0x95: {  	s17 =	sld [smem:$0x11];
	[sflag:s4] =	ssyncadd.s32 $0xFFFFFFFF  }
0x96: {  	s18 =	sld [smem:$0x12];
	(tm) =	ssettm $0x1  }
0x97: {  	s6 =	sld [smem:$0x3FFB];
	_ =	sdelay $0x3  }
0x98: {  	_ =	strace s6  }
0x99: {  	s6 =	sld [smem:$0x3FFC];
	_ =	sdelay $0x3  }
0x9a: {  	_ =	strace s6  }
0x9b: {  	s6 =	sld [smem:$0x3FFD];
	_ =	sdelay $0x3  }
0x9c: {  	_ =	strace s6  }
0x9d: {  	_ =	strace $0x8FFFFFFF  }
0x9e: {  	s19 =	sld [smem:$0x3FDB];
	_ =	sdelay $0x1  }
0x9f: {  	s7 =	simm.s32 $_scs_section_size  }
0xa0: {  	s8 =	simm.s32 $_size__tile_overlayer_lowered;
	s9 =	simm.s32 $_tile_overlayer_lowered  }
0xa1: {  	s22 =	simm.s32 $0x1BFF;
	s21 =	sshll.u32 s9, $0x1;
	s6 =	sadd.s32 s7, s19  }
0xa2: {  	s10 =	simm.s32 $0x0;
	s20 =	sshll.u32 s8, $0x1;
	s8 =	sadd.s32 s21, s6  }
0xa3: {  	[timem:s10], [sflag:s22] =	dma.local [hbm:s8], s20  }
0xa4: {  	_ =	swait.ge [sflag:s22], s20  }
0xa5: {  	s7 =	ssub.s32 $0x0, s20;
	[sflag:s22] =	ssyncset.done $0x0  }
0xa6: {  	[sflag:s22] =	ssyncadd.s32 s7;
	_ =	sdelay $0x1  }
0xa7: {  	s23 =	simm.s32 $0x1B8B  }
0xa8: {  	_ =	swait.ge [sflag:s23], $0x1  }
0xa9: {  	[sflag:s23] =	ssyncset.done $0x0  }
0xaa: {  	s25 =	simm.s32 $0x1B8E;
	s24 =	sld [smem:$0x3FFE];
	[sflag:s23] =	ssyncadd.s32 $0xFFFFFFFF  }
0xab: {  	s26 =	simm.s32 $execute0_lowered;
	[smem:$0x3FD2] =	sst s25  }
0xac: {  	s8 =	sshll.u32 s26, $0x1;
	_ =	strace $0x80000049;
	[dreg:$0x1] =	wrdreg $0xFFFFFFFF  }
0xad: {  	s28 =	simm.s32 $_size_execute0_lowered;
	s6 =	sadd.s32 s6, s8;
	[dreg:$0x0] =	wrdreg $0x0  }
0xae: {  	s8 =	sshll.u32 s28, $0x1;
	[dreg:$0x2] =	wrdreg s6  }
0xaf: {  	[dreg:$0x3] =	wrdreg s8  }
0xb0: {  	[dreg:$0x4] =	wrdreg $0xC0  }
0xb1: {  	_ =	task [dreg:s10], $0x5FFFF  }
0xb2: {  	[dreg:$0x1] =	wrdreg $0xFFFFFFFF  }
0xb3: {  	[dreg:$0x0] =	wrdreg $0x60  }
0xb4: {  	[dreg:$0x2] =	wrdreg s24  }
0xb5: {  	[dreg:$0x3] =	wrdreg s17  }
0xb6: {  	[dreg:$0x4] =	wrdreg s15  }
0xb7: {  	[dreg:$0x5] =	wrdreg s16  }
0xb8: {  	[dreg:$0x6] =	wrdreg s18  }
0xb9: {  	[dreg:$0x7] =	wrdreg $0x9  }
0xba: {  	_ =	task.clear_ibuf [dreg:s10], $0x8FFFF;
	_ =	strace $0x90000049  }
0xbb: {  	s29 =	simm.s32 $0x9;
	_ =	strace $0x8000004B  }
0xbc: {  	_ =	swait.ge [sflag:s29], $0x1  }
0xbd: {  	[sflag:s29] =	ssyncadd.s32 $0xFFFFFFFF  }
0xbe: {  	_ =	strace $0x9000004B  }
0xbf: {  	_ =	sfence  }
0xc0: {  	s30 =	sld [smem:$0x0];
	_ =	sdelay $0x2  }
0xc1: {  	s31 =	sshll.u32 s1, $0xD;
	s1 =	sshrl.u32 s1, $0x2  }
0xc2: {  	s3 =	sand.u32 $0x4000, s31;
	s1 =	sadd.s32 s1, s30  }
0xc3: {  	s0 =	sor.u32 s3, s0;
	s1 =	sshll.u32 s1, $0x11  }
0xc4: {  	s0 =	sor.u32 s1, s0  }
0xc5: {  	s0 =	sadd.s32 $0x8F2B, s0  }
0xc6: {  	[sflag:s0] =	ssyncadd.remote.s32 $0x1  }
0xc7: {  	_ =	sfence.sel $0xFFFF  }
0xc8: {  	[dreg:$0x0] =	wrdreg $0xFFFFFFFF;
	(pc) =	sbr.abs _section_cstart, $3  }
0xc9: {  	[dreg:$0x1] =	wrdreg $0xFFFFFFFF  }
0xca: {  	_ =	task.clear_ibuf [dreg:s10], $0x2FFFF;
	_ =	strace $0x9FFFFFFF  }
0xcb: {  	(tm) =	ssettm $0x7FFFFFFF  }
tec
execute0_lowered:
.L_overlay_start_1:
0x0: {  	(tag) =	ssettag $0x1  }
0x1: {  	s0 =	rddreg [dreg:$0x0]  }
0x2: {  	s1 =	rddreg [dreg:$0x1]  }
0x3: {  	s2 =	rddreg [dreg:$0x2]  }
0x4: {  	s3 =	rddreg [dreg:$0x3]  }
0x5: {  	s4 =	rddreg [dreg:$0x4];
	v0 =	vimm.s32 $0xBA98FEDC;
	v1 =	vimm.s32 $0x32107654  }
0x6: {  	s5 =	simm.s32 $0x0;
	s6 =	srdreg.scid;
	s7 =	stileid.u32;
	v2 =	vimm.s32 $0x76543210;
	v3 =	vimm.s32 $0xFEDCBA98;
	v4 =	vimm.s32 $0xDCFE98BA  }
0x7: {  	s11 =	simm.s32 $0x800;
	s14 =	simm.s32 $0x16000;
	s15 =	simm.s32 $0x5;
	v6 =	vimm.s32 $0x54761032;
	v0 =	vunpack.c.l.s4.s8 v0;
	v1 =	vunpack.c.l.s4.s8 v1  }
0x8: {  	s16 =	simm.s32 $0x80;
	s17 =	simm.s32 $0x2000;
	s18 =	simm.s32 $0x6000;
	vm0 =	vcmask $0x1B20;
	vm1 =	vcmask $0x171C;
	vm2 =	vcmask $0x1318  }
0x9: {  	s28 =	simm.s32 $0xE000;
	s12 =	simm.s32 $0x1;
	s31 =	simm.s32 $0x12000;
	vm3 =	vcmask $0xF14;
	v0 =	vunpack.c.0.s8.s32 v0;
	v1 =	vunpack.c.0.s8.s32 v1  }
0xa: {  	s13 =	simm.s32 $0x2;
	s30 =	simm.s32 $0x14000;
	vm4 =	vcmask $0xB10;
	vm5 =	vcmask $0x70C;
	vm6 =	vcmask $0x308;
	[smem:$0x7FF] =	sst s5  }
0xb: {  	s6 =	sand.u32 $0x1, s6;
	s7 =	sshll.u32 s7, $0x1;
	s9 =	sadd.s32 $0xC3500, s1;
	v3 =	vunpack.c.l.s4.s8 v3;
	v7 =	vcombine.low v1, v0;
	v0 =	vimm.s32 $0xEFCDAB89  }
0xc: {  	_ =	strace $0x8000004A;
	s8 =	ssub.s32 $0x2, s6;
	s6 =	sor.u32 s6, s7;
	v1 =	vunpack.c.l.s4.s8 v4;
	v4 =	vunpack.c.l.s4.s8 v6;
	v6 =	vimm.s32 $0x67452301  }
0xd: {  	v2 =	vunpack.c.l.s4.s8 v2;
	s7 =	sadd.s32 $0xA00, s0;
	s0 =	simm.s32 $0x800;
	p0 =	slt.u32 s6, $0x15;
	v0 =	vunpack.c.l.s4.s8 v0;
	v6 =	vunpack.c.l.s4.s8 v6  }
0xe: {  	s23 =	sshrl.u32 s8, $0x1;
	s10 =	sshll.u32 s6, $0x8;
	v3 =	vunpack.c.0.s8.s32 v3;
	s0 =	simm.s32 @!p0 $0x0;
	v1 =	vunpack.c.0.s8.s32 v1;
	v4 =	vunpack.c.0.s8.s32 v4  }
.Ltmp0:
0xf: {  	s26 =	sshll.u32 s6, $0x1;
	s24 =	sadd.s32 s1, s10;
	v5 =	vmov s0;
	v8 =	vunpack.c.0.s8.s32 v0;
	v6 =	vunpack.c.0.s8.s32 v6;
	(pc) =	sbr.rel .LBB2_1-.Ltmp0, $4  }
0x10: {  	v2 =	vunpack.c.0.s8.s32 v2;
	s8 =	ssub.s32 s8, s23;
	s25 =	sadd.s32 s10, s9;
	[dreg:$0x6] =	wrdreg s24;
	v0 =	vadd.s32 $0x30800, v5;
	v4 =	vcombine.low v4, v1  }
0x11: {  	s4 =	sadd.s32 s4, s26;
	s26 =	simm.s32 $0xA000;
	[dreg:$0x7] =	wrdreg s25;
	v1 =	vand.u32 $0xF, v3;
	v3 =	vand.u32 $0xF, v7;
	v5 =	vcombine.low v6, v8  }
0x12: {  	[dreg:$0x8] =	wrdreg s4;
	s29 =	smax.u32 s8, $0x1;
	s24 =	simm.s32 $0x1000;
	v1 =	vcombine.low v1, v2;
	v2 =	vimm.s32 $0x0;
	v6 =	vlaneseq.u32  }
0x13: {  	s25 =	simm.s32 $0x1800;
	s4 =	simm.s32 $0x0;
	[dreg:$0x9] =	wrdreg s29;
	v4 =	vand.u32 $0xF, v4;
	v6 =	vmul.u32 $0x8, v6;
	v5 =	vand.u32 $0xF, v5  }
.LBB2_17:
0x14: {  	v7 =	vperm.xlane v20, v1  }
0x15: {  	v10 =	vperm.xlane v18, v1  }
0x16: {  	v42 =	vperm.xlane v17, v1;
	v43 =	vperm.xlane v16, v1;
	v7 =	vadd.s32 v20, v7  }
0x17: {  	v45 =	vperm.xlane v15, v1;
	v8 =	vperm.xlane v7, v3  }
0x18: {  	v50 =	vperm.xlane v14, v1;
	v41 =	vadd.s32 v18, v10;
	v10 =	vadd.s32 v17, v42  }
0x19: {  	v44 =	vperm.xlane v10, v3;
	v7 =	vadd.s32 v8, v7;
	v8 =	vperm.xlane v19, v1  }
0x1a: {  	v15 =	vadd.s32 v15, v45;
	v14 =	vadd.s32 v14, v50;
	v9 =	vperm.xlane v7, v4  }
0x1b: {  	v13 =	vperm.xlane v41, v3;
	v10 =	vadd.s32 v44, v10;
	v8 =	vadd.s32 v19, v8  }
0x1c: {  	v48 =	vperm.xlane v10, v4;
	v7 =	vadd.s32 v9, v7;
	v40 =	vperm.xlane v8, v3  }
0x1d: {  	v49 =	vperm.xlane v15, v3;
	v9 =	vadd.s32 v13, v41;
	v11 =	vperm.xlane v7, v5  }
0x1e: {  	v10 =	vadd.s32 v48, v10;
	v13 =	vperm.xlane v9, v4;
	v8 =	vadd.s32 v40, v8  }
0x1f: {  	v53 =	vperm.xlane v10, v5;
	v12 =	vperm.xlane v8, v4;
	v7 =	vadd.s32 v11, v7  }
0x20: {  	v11 =	vadd.s32 v16, v43;
	v9 =	vadd.s32 v13, v9;
	v16 =	vperm.xlane v14, v3  }
0x21: {  	vm7 =	vmmov $0x1;
	v47 =	vperm.xlane v11, v3;
	v51 =	vperm.xlane v9, v5  }
0x22: {  	v8 =	vadd.s32 v12, v8;
	v12 =	vadd.s32 v49, v15;
	v56 =	vadd.s32 v16, v14  }
0x23: {  	v46 =	vperm.xlane v8, v5;
	v11 =	vadd.s32 v47, v11;
	v54 =	vperm.xlane v12, v4  }
0x24: {  	v10 =	vadd.s32 v53, v10;
	v58 =	vperm.xlane v56, v4;
	v52 =	vperm.xlane v11, v4  }
0x25: {  	v9 =	vadd.s32 v51, v9;
	v8 =	vadd.s32 v46, v8;
	v12 =	vadd.s32 v54, v12  }
0x26: {  	v13 =	vadd.s32 v58, v56;
	v11 =	vadd.s32 v52, v11;
	v57 =	vperm.xlane v12, v5  }
0x27: {  	v59 =	vsub.s32 v7, v8;
	v7 =	vsub.s32 v0, v7;
	v8 =	vsub.s32 v8, v9  }
0x28: {  	v61 =	vperm.xlane v13, v5;
	v9 =	vsub.s32 v9, v10;
	v55 =	vperm.xlane v11, v5  }
0x29: {  	v7 =	vnsel vm7, $0x0, v7;
	v60 =	vsel vm6, $0x0, v59;
	v8 =	vsel vm5, $0x0, v8  }
0x2a: {  	s0 =	simm.s32 $0x3;
	v9 =	vsel vm4, $0x0, v9;
	v7 =	vadd.s32 v7, v60;
	v11 =	vadd.s32 v55, v11  }
0x2b: {  	_ =	swait.ge [sflag:s0], $0x2000;
	v12 =	vadd.s32 v57, v12;
	v7 =	vadd.s32 v8, v7;
	v10 =	vsub.s32 v10, v11  }
0x2c: {  	[sflag:s0] =	ssyncset.done $0x0;
	v8 =	vsub.s32 v11, v12;
	v7 =	vadd.s32 v9, v7;
	v10 =	vsel vm3, $0x0, v10  }
0x2d: {  	s21 =	simm.s32 $0x4;
	[sflag:s0] =	ssyncadd.s32 $0xFFFFE000;
	v62 =	vadd.s32 v61, v13;
	v8 =	vsel vm2, $0x0, v8;
	v7 =	vadd.s32 v10, v7  }
0x2e: {  	_ =	swait.ge [sflag:s21], $0x2000;
	v63 =	vsel vm0, $0x0, v62;
	v9 =	vsub.s32 v12, v62;
	v7 =	vadd.s32 v8, v7  }
0x2f: {  	[sflag:s21] =	ssyncset.done $0x0;
	v8 =	vsel vm1, $0x0, v9;
	v7 =	vadd.s32 v63, v7  }
0x30: {  	[sflag:s21] =	ssyncadd.s32 $0xFFFFE000;
	v7 =	vadd.s32 v8, v7  }
0x31: {  	s4 =	simm.s32 $0x1AE20;
	s22 =	rddreg [dreg:$0x8];
	[tilespmem:$0x1AE20] =	vst v7  }
0x32: {  	[hbm4b:s22+s5] =	stream.linear.scatter [tilespmem:s4], [sflag:$0x5], $0x10, $0x38;
	[tilespmem:$0x1AE30] =	vst v63  }
0x33: {  	_ =	swait.ge [sflag:s15], $0x10  }
0x34: {  	s23 =	rddreg [dreg:$0xa]  }
0x35: {  	s29 =	rddreg [dreg:$0x9];
	s4 =	sadd.s32 $0x1, s23  }
0x36: {  	p0 =	sne.s32 s4, s29  }
.Ltmp1:
0x37: {  	_ = 	snop;
	(pc) =	sbr.rel @!p0 .LBB2_18-.Ltmp1, $3  }
0x38: {  	_ =	sdelay $0x1  }
0x39: {  	[sflag:s15] =	ssyncset.done $0x0  }
0x3a: {  	[sflag:s15] =	ssyncadd.s32 $0xFFFFFFF0  }
.LBB2_1:
0x3b: {  	v7 =	vimm.s32 $0x0  }
0x3c: {  	v8 =	vimm.s32 $0x0;
	v9 =	vimm.s32 $0x0;
	v10 =	vimm.s32 $0x0  }
0x3d: {  	[dreg:$0xa] =	wrdreg s4;
	v11 =	vimm.s32 $0x0;
	v12 =	vimm.s32 $0x0;
	v13 =	vimm.s32 $0x0;
	s0 =	simm.s32 $0x0  }
.LBB2_2:
0x3e: {  	s4 =	smul.u32 $0x9C4, s0;
	_ =	sdelay $0x1  }
0x3f: {  	s8 =	simm.s32 $0x0;
	s4 =	sadd.s32 s2, s4  }
0x40: {  	[tilespmem:s14], [sflag:$0x5] =	stream.linear.gather [hbm4b:s4+s8], $0x4E20, $0x38;
	[tilespmem:$0x1AE30] =	vst v63  }
0x41: {  	_ =	swait.ge [sflag:s15], $0x4E20  }
0x42: {  	[sflag:s15] =	ssyncset.done $0x0  }
0x43: {  	s29 =	simm.s32 $0x0;
	[sflag:s15] =	ssyncadd.s32 $0xFFFFB1E0  }
0x44: {  	v14 =	vld [tilespmem:s29+$0x16000];
	_ =	sdelay $0x4  }
0x45: {  	vm7 =	vgt.s32 v14, $0x0;
	vm8 =	vgt.s32 v14, $0x1;
	vm11 =	vgt.s32 v14, $0x6  }
0x46: {  	s8 =	simm.s32 $0x10;
	s4 =	simm.s32 $0x80;
	vm10 =	vgt.s32 v14, $0x2;
	vm9 =	vgt.s32 v14, $0x3;
	v15 =	vsel vm11, $0x1, v2  }
.LBB2_3:
0x47: {  	p0 =	sne.s32 s4, $0x13840;
	vm11 =	vgt.s32 v14, $0x4;
	vm12 =	vgt.s32 v14, $0x5;
	v14 =	vld [tilespmem:s8+$0x16000];
	v7 =	vadd.s32 v15, v7  }
0x48: {  	v15 =	vsel vm7, $0x1, v2;
	v16 =	vsel vm8, $0x1, v2;
	v17 =	vsel vm10, $0x1, v2  }
.Ltmp2:
0x49: {  	v18 =	vsel vm9, $0x1, v2;
	v19 =	vsel vm11, $0x1, v2;
	v20 =	vsel vm12, $0x1, v2;
	(pc) =	sbr.rel @p0 .LBB2_3-.Ltmp2, $4  }
0x4a: {  	v13 =	vadd.s32 v15, v13;
	v12 =	vadd.s32 v16, v12;
	v11 =	vadd.s32 v17, v11  }
0x4b: {  	v10 =	vadd.s32 v18, v10;
	v9 =	vadd.s32 v19, v9;
	v8 =	vadd.s32 v20, v8  }
0x4c: {  	vm7 =	vgt.s32 v14, $0x0;
	vm8 =	vgt.s32 v14, $0x1;
	vm11 =	vgt.s32 v14, $0x6  }
0x4d: {  	s8 =	sshra.s32 s4, $0x2;
	s4 =	sadd.s32 $0x40, s4;
	vm10 =	vgt.s32 v14, $0x2;
	vm9 =	vgt.s32 v14, $0x3;
	v15 =	vsel vm11, $0x1, v2  }
0x4e: {  	v16 =	vld [tilespmem:s8+$0x16000];
	vm11 =	vgt.s32 v14, $0x4;
	vm12 =	vgt.s32 v14, $0x5;
	v7 =	vadd.s32 v15, v7  }
0x4f: {  	v14 =	vsel vm7, $0x1, v2;
	v15 =	vsel vm8, $0x1, v2;
	v17 =	vsel vm10, $0x1, v2  }
0x50: {  	v18 =	vsel vm9, $0x1, v2;
	v19 =	vsel vm11, $0x1, v2;
	v20 =	vsel vm12, $0x1, v2  }
0x51: {  	v13 =	vadd.s32 v14, v13;
	v12 =	vadd.s32 v15, v12;
	v11 =	vadd.s32 v17, v11  }
0x52: {  	v10 =	vadd.s32 v18, v10;
	v9 =	vadd.s32 v19, v9;
	v8 =	vadd.s32 v20, v8  }
0x53: {  	s0 =	sadd.s32 $0x1, s0;
	vm7 =	vgt.s32 v16, $0x0;
	vm8 =	vgt.s32 v16, $0x1;
	vm15 =	vgt.s32 v16, $0x6  }
0x54: {  	p0 =	sne.s32 s0, $0x5;
	vm10 =	vgt.s32 v16, $0x2;
	vm11 =	vgt.s32 v16, $0x3;
	vm9 =	vgt.s32 v16, $0x4  }
.Ltmp3:
0x55: {  	vm12 =	vgt.s32 v16, $0x5;
	v14 =	vsel vm15, $0x1, v2;
	v15 =	vsel vm8, $0x1, v2;
	(pc) =	sbr.rel @p0 .LBB2_2-.Ltmp3, $4  }
0x56: {  	v60 =	vsel vm10, $0x1, v2;
	v61 =	vsel vm11, $0x1, v2;
	v62 =	vsel vm9, $0x1, v2  }
0x57: {  	v63 =	vsel vm12, $0x1, v2;
	v7 =	vadd.s32 v14, v7;
	v14 =	vsel vm7, $0x1, v2  }
0x58: {  	v12 =	vadd.s32 v15, v12;
	v11 =	vadd.s32 v60, v11;
	v10 =	vadd.s32 v61, v10  }
0x59: {  	v9 =	vadd.s32 v62, v9;
	v8 =	vadd.s32 v63, v8;
	v13 =	vadd.s32 v14, v13  }
0x5a: {  	s19 =	simm.s32 $0x0;
	s0 =	rddreg [dreg:$0x6]  }
0x5b: {  	[tilespmem:s19], [sflag:$0x5] =	stream.linear.gather [hbm4b:s0+s19], $0x800, $0x38;
	[tilespmem:$0x1AE30] =	vst v63  }
0x5c: {  	_ =	swait.ge [sflag:s15], $0x800  }
0x5d: {  	[sflag:s15] =	ssyncset.done $0x0  }
0x5e: {  	s22 =	rddreg [dreg:$0x7];
	[sflag:s15] =	ssyncadd.s32 $0xFFFFF800  }
0x5f: {  	[tilespmem:s11], [sflag:$0x5] =	stream.linear.gather [hbm4b:s22+s19], $0x800, $0x38;
	[tilespmem:$0x1AE30] =	vst v63  }
0x60: {  	_ =	swait.ge [sflag:s15], $0x800  }
0x61: {  	[sflag:s15] =	ssyncset.done $0x0  }
0x62: {  	[sflag:s15] =	ssyncadd.s32 $0xFFFFF800  }
0x63: {  	[tilespmem:s17], [sflag:$0x1] =	stream.indirect.gather [hbm4b:s7+s16], $0x8, s19, s16, $0xb8;
	[tilespmem:$0x1AE30] =	vst v63  }
0x64: {  	_ = 	snop  }
0x65: {  	[tilespmem:s18], [sflag:$0x1] =	stream.indirect.gather [hbm4b:s7+s16], $0x8, s11, s16, $0xb8;
	[tilespmem:$0x1AE30] =	vst v63  }
0x66: {  	s23 =	simm.s32 $0x2400  }
0x67: {  	[tilespmem:s23], [sflag:$0x1] =	stream.indirect.gather [hbm4b:s7+s16], $0x8, s16, s16, $0xb8;
	[tilespmem:$0x1AE30] =	vst v63  }
0x68: {  	s29 =	simm.s32 $0x880;
	s4 =	simm.s32 $0x6400  }
0x69: {  	[tilespmem:s4], [sflag:$0x1] =	stream.indirect.gather [hbm4b:s7+s16], $0x8, s29, s16, $0xb8;
	[tilespmem:$0x1AE30] =	vst v63  }
0x6a: {  	s8 =	simm.s32 $0x2800;
	s4 =	simm.s32 $0x100  }
0x6b: {  	[tilespmem:s8], [sflag:$0x1] =	stream.indirect.gather [hbm4b:s7+s16], $0x8, s4, s16, $0xb8;
	[tilespmem:$0x1AE30] =	vst v63  }
0x6c: {  	s10 =	simm.s32 $0x900;
	s20 =	simm.s32 $0x6800  }
0x6d: {  	[tilespmem:s20], [sflag:$0x1] =	stream.indirect.gather [hbm4b:s7+s16], $0x8, s10, s16, $0xb8;
	[tilespmem:$0x1AE30] =	vst v63  }
0x6e: {  	s21 =	simm.s32 $0x180;
	s22 =	simm.s32 $0x2C00  }
0x6f: {  	[tilespmem:s22], [sflag:$0x1] =	stream.indirect.gather [hbm4b:s7+s16], $0x8, s21, s16, $0xb8;
	[tilespmem:$0x1AE30] =	vst v63  }
0x70: {  	s23 =	simm.s32 $0x980;
	s29 =	simm.s32 $0x6C00  }
0x71: {  	[tilespmem:s29], [sflag:$0x1] =	stream.indirect.gather [hbm4b:s7+s16], $0x8, s23, s16, $0xb8;
	[tilespmem:$0x1AE30] =	vst v63  }
0x72: {  	s4 =	simm.s32 $0x200;
	s8 =	simm.s32 $0x3000  }
0x73: {  	[tilespmem:s8], [sflag:$0x1] =	stream.indirect.gather [hbm4b:s7+s16], $0x8, s4, s16, $0xb8;
	[tilespmem:$0x1AE30] =	vst v63  }
0x74: {  	s10 =	simm.s32 $0xA00;
	s20 =	simm.s32 $0x7000  }
0x75: {  	[tilespmem:s20], [sflag:$0x1] =	stream.indirect.gather [hbm4b:s7+s16], $0x8, s10, s16, $0xb8;
	[tilespmem:$0x1AE30] =	vst v63  }
0x76: {  	s21 =	simm.s32 $0x280;
	s22 =	simm.s32 $0x3400  }
0x77: {  	[tilespmem:s22], [sflag:$0x1] =	stream.indirect.gather [hbm4b:s7+s16], $0x8, s21, s16, $0xb8;
	[tilespmem:$0x1AE30] =	vst v63  }
0x78: {  	s23 =	simm.s32 $0xA80;
	s29 =	simm.s32 $0x7400  }
0x79: {  	[tilespmem:s29], [sflag:$0x1] =	stream.indirect.gather [hbm4b:s7+s16], $0x8, s23, s16, $0xb8;
	[tilespmem:$0x1AE30] =	vst v63  }
0x7a: {  	s4 =	simm.s32 $0x300;
	s8 =	simm.s32 $0x3800  }
0x7b: {  	[tilespmem:s8], [sflag:$0x1] =	stream.indirect.gather [hbm4b:s7+s16], $0x8, s4, s16, $0xb8;
	[tilespmem:$0x1AE30] =	vst v63  }
0x7c: {  	s10 =	simm.s32 $0xB00;
	s20 =	simm.s32 $0x7800  }
0x7d: {  	[tilespmem:s20], [sflag:$0x1] =	stream.indirect.gather [hbm4b:s7+s16], $0x8, s10, s16, $0xb8;
	[tilespmem:$0x1AE30] =	vst v63  }
0x7e: {  	s21 =	simm.s32 $0x380;
	s22 =	simm.s32 $0x3C00  }
0x7f: {  	[tilespmem:s22], [sflag:$0x1] =	stream.indirect.gather [hbm4b:s7+s16], $0x8, s21, s16, $0xb8;
	[tilespmem:$0x1AE30] =	vst v63  }
0x80: {  	s23 =	simm.s32 $0xB80;
	s29 =	simm.s32 $0x7C00  }
0x81: {  	[tilespmem:s29], [sflag:$0x1] =	stream.indirect.gather [hbm4b:s7+s16], $0x8, s23, s16, $0xb8;
	[tilespmem:$0x1AE30] =	vst v63  }
0x82: {  	s4 =	simm.s32 $0x400;
	s8 =	simm.s32 $0x4000  }
0x83: {  	[tilespmem:s8], [sflag:$0x1] =	stream.indirect.gather [hbm4b:s7+s16], $0x8, s4, s16, $0xb8;
	[tilespmem:$0x1AE30] =	vst v63  }
0x84: {  	s10 =	simm.s32 $0xC00;
	s20 =	simm.s32 $0x8000  }
0x85: {  	[tilespmem:s20], [sflag:$0x1] =	stream.indirect.gather [hbm4b:s7+s16], $0x8, s10, s16, $0xb8;
	[tilespmem:$0x1AE30] =	vst v63  }
0x86: {  	s21 =	simm.s32 $0x480;
	s22 =	simm.s32 $0x4400  }
0x87: {  	v14 =	vperm.xlane v13, v1;
	[tilespmem:s22], [sflag:$0x1] =	stream.indirect.gather [hbm4b:s7+s16], $0x8, s21, s16, $0xb8;
	[tilespmem:$0x1AE30] =	vst v63  }
0x88: {  	s23 =	simm.s32 $0xC80;
	s29 =	simm.s32 $0x8400  }
0x89: {  	v13 =	vadd.s32 v13, v14;
	[tilespmem:s29], [sflag:$0x1] =	stream.indirect.gather [hbm4b:s7+s16], $0x8, s23, s16, $0xb8;
	[tilespmem:$0x1AE30] =	vst v63  }
0x8a: {  	v14 =	vperm.xlane v13, v3;
	s4 =	simm.s32 $0x500;
	s8 =	simm.s32 $0x4800  }
0x8b: {  	v15 =	vperm.xlane v12, v1;
	v17 =	vperm.xlane v9, v1;
	[tilespmem:s8], [sflag:$0x1] =	stream.indirect.gather [hbm4b:s7+s16], $0x8, s4, s16, $0xb8;
	[tilespmem:$0x1AE30] =	vst v63  }
0x8c: {  	v13 =	vadd.s32 v14, v13;
	v14 =	vperm.xlane v11, v1;
	s10 =	simm.s32 $0xD00;
	s20 =	simm.s32 $0x8800  }
0x8d: {  	v12 =	vadd.s32 v12, v15;
	v9 =	vadd.s32 v9, v17;
	[tilespmem:s20], [sflag:$0x1] =	stream.indirect.gather [hbm4b:s7+s16], $0x8, s10, s16, $0xb8;
	[tilespmem:$0x1AE30] =	vst v63  }
0x8e: {  	v15 =	vperm.xlane v12, v3;
	v20 =	vperm.xlane v9, v3;
	v11 =	vadd.s32 v11, v14;
	s21 =	simm.s32 $0x580;
	s22 =	simm.s32 $0x4C00  }
0x8f: {  	v14 =	vperm.xlane v11, v3;
	[tilespmem:s22], [sflag:$0x1] =	stream.indirect.gather [hbm4b:s7+s16], $0x8, s21, s16, $0xb8;
	[tilespmem:$0x1AE30] =	vst v63  }
0x90: {  	v19 =	vperm.xlane v8, v1;
	v12 =	vadd.s32 v15, v12;
	v9 =	vadd.s32 v20, v9;
	s23 =	simm.s32 $0xD80;
	s29 =	simm.s32 $0x8C00  }
0x91: {  	v15 =	vperm.xlane v13, v4;
	v11 =	vadd.s32 v14, v11;
	v14 =	vperm.xlane v10, v1;
	[tilespmem:s29], [sflag:$0x1] =	stream.indirect.gather [hbm4b:s7+s16], $0x8, s23, s16, $0xb8;
	[tilespmem:$0x1AE30] =	vst v63  }
0x92: {  	v8 =	vadd.s32 v8, v19;
	v16 =	vperm.xlane v12, v4;
	v19 =	vperm.xlane v9, v4;
	s4 =	simm.s32 $0x600;
	s8 =	simm.s32 $0x5000  }
0x93: {  	v18 =	vperm.xlane v11, v4;
	v10 =	vadd.s32 v10, v14;
	v14 =	vperm.xlane v7, v1;
	[tilespmem:s8], [sflag:$0x1] =	stream.indirect.gather [hbm4b:s7+s16], $0x8, s4, s16, $0xb8;
	[tilespmem:$0x1AE30] =	vst v63  }
0x94: {  	v13 =	vadd.s32 v15, v13;
	v12 =	vadd.s32 v16, v12;
	v17 =	vperm.xlane v10, v3;
	s10 =	simm.s32 $0xE00;
	s20 =	simm.s32 $0x9000  }
0x95: {  	v11 =	vadd.s32 v18, v11;
	v18 =	vperm.xlane v8, v3;
	v7 =	vadd.s32 v7, v14;
	[tilespmem:s20], [sflag:$0x1] =	stream.indirect.gather [hbm4b:s7+s16], $0x8, s10, s16, $0xb8;
	[tilespmem:$0x1AE30] =	vst v63  }
0x96: {  	v15 =	vperm.xlane v13, v5;
	v10 =	vadd.s32 v17, v10;
	v14 =	vperm.xlane v7, v3;
	s21 =	simm.s32 $0x680;
	s22 =	simm.s32 $0x5400  }
0x97: {  	v16 =	vperm.xlane v12, v5;
	v8 =	vadd.s32 v18, v8;
	v17 =	vperm.xlane v10, v4;
	[tilespmem:s22], [sflag:$0x1] =	stream.indirect.gather [hbm4b:s7+s16], $0x8, s21, s16, $0xb8;
	[tilespmem:$0x1AE30] =	vst v63  }
0x98: {  	v18 =	vperm.xlane v11, v5;
	v20 =	vperm.xlane v8, v4;
	v7 =	vadd.s32 v14, v7;
	s23 =	simm.s32 $0xE80;
	s29 =	simm.s32 $0x9400  }
0x99: {  	v14 =	vadd.s32 v19, v9;
	v10 =	vadd.s32 v17, v10;
	v9 =	vperm.xlane v7, v4;
	[tilespmem:s29], [sflag:$0x1] =	stream.indirect.gather [hbm4b:s7+s16], $0x8, s23, s16, $0xb8;
	[tilespmem:$0x1AE30] =	vst v63  }
0x9a: {  	v19 =	vperm.xlane v14, v5;
	v20 =	vadd.s32 v20, v8;
	v8 =	vadd.s32 v12, v16;
	s4 =	simm.s32 $0x700;
	s8 =	simm.s32 $0x5800  }
0x9b: {  	v16 =	vimm.s32 $0x0;
	v17 =	vperm.xlane v10, v5;
	v21 =	vperm.xlane v20, v5;
	[tilespmem:s8], [sflag:$0x1] =	stream.indirect.gather [hbm4b:s7+s16], $0x8, s4, s16, $0xb8;
	[tilespmem:$0x1AE30] =	vst v63  }
0x9c: {  	v8 =	vsub.s32 $0x186A0, v8;
	v22 =	vadd.s32 v9, v7;
	v7 =	vadd.s32 v13, v15;
	s10 =	simm.s32 $0xF00;
	s20 =	simm.s32 $0x9800  }
0x9d: {  	v9 =	vadd.s32 v11, v18;
	v11 =	vadd.s32 v14, v19;
	v14 =	vimm.s32 $0x0;
	[tilespmem:s20], [sflag:$0x1] =	stream.indirect.gather [hbm4b:s7+s16], $0x8, s10, s16, $0xb8;
	[tilespmem:$0x1AE30] =	vst v63  }
.Ltmp4:
0x9e: {  	v15 =	vimm.s32 $0x0;
	v18 =	vimm.s32 $0x0;
	v19 =	vimm.s32 $0x0;
	(pc) =	sbr.rel .LBB2_6-.Ltmp4, $4  }
0x9f: {  	v13 =	vperm.xlane v22, v5;
	v7 =	vsub.s32 $0x186A0, v7;
	v10 =	vadd.s32 v10, v17;
	s21 =	simm.s32 $0x780;
	s22 =	simm.s32 $0x5C00  }
0xa0: {  	v9 =	vsub.s32 $0x186A0, v9;
	v11 =	vsub.s32 $0x186A0, v11;
	v12 =	vadd.s32 v20, v21;
	[tilespmem:s22], [sflag:$0x1] =	stream.indirect.gather [hbm4b:s7+s16], $0x8, s21, s16, $0xb8;
	[tilespmem:$0x1AE30] =	vst v63  }
0xa1: {  	v17 =	vimm.s32 $0x0;
	v20 =	vimm.s32 $0x0;
	v13 =	vadd.s32 v22, v13;
	s23 =	simm.s32 $0xF80;
	s29 =	simm.s32 $0x9C00  }
0xa2: {  	v10 =	vsub.s32 $0x186A0, v10;
	v12 =	vsub.s32 $0x186A0, v12;
	v13 =	vsub.s32 $0x186A0, v13;
	[tilespmem:s29], [sflag:$0x1] =	stream.indirect.gather [hbm4b:s7+s16], $0x8, s23, s16, $0xb8;
	[tilespmem:$0x1AE30] =	vst v63  }
.LBB2_16:
0xa3: {  	s19 =	sadd.s32 $0x1, s19  }
0xa4: {  	p0 =	sne.s32 s19, $0x31  }
.Ltmp5:
0xa5: {  	_ = 	snop;
	(pc) =	sbr.rel @!p0 .LBB2_17-.Ltmp5, $1  }
0xa6: {  	_ =	sdelay $0x3  }
.LBB2_6:
0xa7: {  	s0 =	sshll.u32 s19, $0x6  }
0xa8: {  	s21 =	sor.u32 s6, s0  }
0xa9: {  	s20 =	sor.u32 $0x20, s21  }
0xaa: {  	p1 =	sgt.u32 s20, $0xC34  }
.Ltmp6:
0xab: {  	_ = 	snop;
	(pc) =	sbr.rel @p1 .LBB2_8-.Ltmp6, $1  }
0xac: {  	_ =	sdelay $0x3  }
0xad: {  	s0 =	sshll.u32 s20, $0x8  }
0xae: {  	s4 =	sadd.s32 s1, s0  }
0xaf: {  	[tilespmem:s24], [sflag:$0x5] =	stream.linear.gather [hbm4b:s4+s5], $0x800, $0x38;
	[tilespmem:$0x1AE30] =	vst v63  }
0xb0: {  	_ =	swait.ge [sflag:s15], $0x800  }
0xb1: {  	[sflag:s15] =	ssyncset.done $0x0  }
0xb2: {  	s0 =	sadd.s32 s0, s9;
	[sflag:s15] =	ssyncadd.s32 $0xFFFFF800  }
0xb3: {  	[tilespmem:s25], [sflag:$0x5] =	stream.linear.gather [hbm4b:s0+s5], $0x800, $0x38;
	[tilespmem:$0x1AE30] =	vst v63  }
0xb4: {  	_ =	swait.ge [sflag:s15], $0x800  }
0xb5: {  	[sflag:s15] =	ssyncset.done $0x0  }
0xb6: {  	[sflag:s15] =	ssyncadd.s32 $0xFFFFF800  }
0xb7: {  	[tilespmem:s26], [sflag:$0x2] =	stream.indirect.gather [hbm4b:s7+s16], $0x8, s24, s16, $0xb8;
	[tilespmem:$0x1AE30] =	vst v63  }
0xb8: {  	_ = 	snop  }
0xb9: {  	[tilespmem:s28], [sflag:$0x2] =	stream.indirect.gather [hbm4b:s7+s16], $0x8, s25, s16, $0xb8;
	[tilespmem:$0x1AE30] =	vst v63  }
0xba: {  	s8 =	simm.s32 $0xA400;
	s4 =	simm.s32 $0x1080  }
0xbb: {  	[tilespmem:s8], [sflag:$0x2] =	stream.indirect.gather [hbm4b:s7+s16], $0x8, s4, s16, $0xb8;
	[tilespmem:$0x1AE30] =	vst v63  }
0xbc: {  	s10 =	simm.s32 $0x1880;
	s22 =	simm.s32 $0xE400  }
0xbd: {  	[tilespmem:s22], [sflag:$0x2] =	stream.indirect.gather [hbm4b:s7+s16], $0x8, s10, s16, $0xb8;
	[tilespmem:$0x1AE30] =	vst v63  }
0xbe: {  	s23 =	simm.s32 $0x1100;
	s29 =	simm.s32 $0xA800  }
0xbf: {  	[tilespmem:s29], [sflag:$0x2] =	stream.indirect.gather [hbm4b:s7+s16], $0x8, s23, s16, $0xb8;
	[tilespmem:$0x1AE30] =	vst v63  }
0xc0: {  	s4 =	simm.s32 $0x1900;
	s8 =	simm.s32 $0xE800  }
0xc1: {  	[tilespmem:s8], [sflag:$0x2] =	stream.indirect.gather [hbm4b:s7+s16], $0x8, s4, s16, $0xb8;
	[tilespmem:$0x1AE30] =	vst v63  }
0xc2: {  	s10 =	simm.s32 $0x1180;
	s22 =	simm.s32 $0xAC00  }
0xc3: {  	[tilespmem:s22], [sflag:$0x2] =	stream.indirect.gather [hbm4b:s7+s16], $0x8, s10, s16, $0xb8;
	[tilespmem:$0x1AE30] =	vst v63  }
0xc4: {  	s23 =	simm.s32 $0x1980;
	s29 =	simm.s32 $0xEC00  }
0xc5: {  	[tilespmem:s29], [sflag:$0x2] =	stream.indirect.gather [hbm4b:s7+s16], $0x8, s23, s16, $0xb8;
	[tilespmem:$0x1AE30] =	vst v63  }
0xc6: {  	s4 =	simm.s32 $0x1200;
	s8 =	simm.s32 $0xB000  }
0xc7: {  	[tilespmem:s8], [sflag:$0x2] =	stream.indirect.gather [hbm4b:s7+s16], $0x8, s4, s16, $0xb8;
	[tilespmem:$0x1AE30] =	vst v63  }
0xc8: {  	s10 =	simm.s32 $0x1A00;
	s22 =	simm.s32 $0xF000  }
0xc9: {  	[tilespmem:s22], [sflag:$0x2] =	stream.indirect.gather [hbm4b:s7+s16], $0x8, s10, s16, $0xb8;
	[tilespmem:$0x1AE30] =	vst v63  }
0xca: {  	s23 =	simm.s32 $0x1280;
	s29 =	simm.s32 $0xB400  }
0xcb: {  	[tilespmem:s29], [sflag:$0x2] =	stream.indirect.gather [hbm4b:s7+s16], $0x8, s23, s16, $0xb8;
	[tilespmem:$0x1AE30] =	vst v63  }
0xcc: {  	s4 =	simm.s32 $0x1A80;
	s8 =	simm.s32 $0xF400  }
0xcd: {  	[tilespmem:s8], [sflag:$0x2] =	stream.indirect.gather [hbm4b:s7+s16], $0x8, s4, s16, $0xb8;
	[tilespmem:$0x1AE30] =	vst v63  }
0xce: {  	s10 =	simm.s32 $0x1300;
	s22 =	simm.s32 $0xB800  }
0xcf: {  	[tilespmem:s22], [sflag:$0x2] =	stream.indirect.gather [hbm4b:s7+s16], $0x8, s10, s16, $0xb8;
	[tilespmem:$0x1AE30] =	vst v63  }
0xd0: {  	s23 =	simm.s32 $0x1B00;
	s29 =	simm.s32 $0xF800  }
0xd1: {  	[tilespmem:s29], [sflag:$0x2] =	stream.indirect.gather [hbm4b:s7+s16], $0x8, s23, s16, $0xb8;
	[tilespmem:$0x1AE30] =	vst v63  }
0xd2: {  	s4 =	simm.s32 $0x1380;
	s8 =	simm.s32 $0xBC00  }
0xd3: {  	[tilespmem:s8], [sflag:$0x2] =	stream.indirect.gather [hbm4b:s7+s16], $0x8, s4, s16, $0xb8;
	[tilespmem:$0x1AE30] =	vst v63  }
0xd4: {  	s10 =	simm.s32 $0x1B80;
	s22 =	simm.s32 $0xFC00  }
0xd5: {  	[tilespmem:s22], [sflag:$0x2] =	stream.indirect.gather [hbm4b:s7+s16], $0x8, s10, s16, $0xb8;
	[tilespmem:$0x1AE30] =	vst v63  }
0xd6: {  	s23 =	simm.s32 $0x1400;
	s29 =	simm.s32 $0xC000  }
0xd7: {  	[tilespmem:s29], [sflag:$0x2] =	stream.indirect.gather [hbm4b:s7+s16], $0x8, s23, s16, $0xb8;
	[tilespmem:$0x1AE30] =	vst v63  }
0xd8: {  	s4 =	simm.s32 $0x1C00;
	s8 =	simm.s32 $0x10000  }
0xd9: {  	[tilespmem:s8], [sflag:$0x2] =	stream.indirect.gather [hbm4b:s7+s16], $0x8, s4, s16, $0xb8;
	[tilespmem:$0x1AE30] =	vst v63  }
0xda: {  	s10 =	simm.s32 $0x1480;
	s22 =	simm.s32 $0xC400  }
0xdb: {  	[tilespmem:s22], [sflag:$0x2] =	stream.indirect.gather [hbm4b:s7+s16], $0x8, s10, s16, $0xb8;
	[tilespmem:$0x1AE30] =	vst v63  }
0xdc: {  	s23 =	simm.s32 $0x1C80;
	s29 =	simm.s32 $0x10400  }
0xdd: {  	[tilespmem:s29], [sflag:$0x2] =	stream.indirect.gather [hbm4b:s7+s16], $0x8, s23, s16, $0xb8;
	[tilespmem:$0x1AE30] =	vst v63  }
0xde: {  	s4 =	simm.s32 $0x1500;
	s8 =	simm.s32 $0xC800  }
0xdf: {  	[tilespmem:s8], [sflag:$0x2] =	stream.indirect.gather [hbm4b:s7+s16], $0x8, s4, s16, $0xb8;
	[tilespmem:$0x1AE30] =	vst v63  }
0xe0: {  	s10 =	simm.s32 $0x1D00;
	s22 =	simm.s32 $0x10800  }
0xe1: {  	[tilespmem:s22], [sflag:$0x2] =	stream.indirect.gather [hbm4b:s7+s16], $0x8, s10, s16, $0xb8;
	[tilespmem:$0x1AE30] =	vst v63  }
0xe2: {  	s23 =	simm.s32 $0x1580;
	s29 =	simm.s32 $0xCC00  }
0xe3: {  	[tilespmem:s29], [sflag:$0x2] =	stream.indirect.gather [hbm4b:s7+s16], $0x8, s23, s16, $0xb8;
	[tilespmem:$0x1AE30] =	vst v63  }
0xe4: {  	s4 =	simm.s32 $0x1D80;
	s8 =	simm.s32 $0x10C00  }
0xe5: {  	[tilespmem:s8], [sflag:$0x2] =	stream.indirect.gather [hbm4b:s7+s16], $0x8, s4, s16, $0xb8;
	[tilespmem:$0x1AE30] =	vst v63  }
0xe6: {  	s10 =	simm.s32 $0x1600;
	s22 =	simm.s32 $0xD000  }
0xe7: {  	[tilespmem:s22], [sflag:$0x2] =	stream.indirect.gather [hbm4b:s7+s16], $0x8, s10, s16, $0xb8;
	[tilespmem:$0x1AE30] =	vst v63  }
0xe8: {  	s23 =	simm.s32 $0x1E00;
	s29 =	simm.s32 $0x11000  }
0xe9: {  	[tilespmem:s29], [sflag:$0x2] =	stream.indirect.gather [hbm4b:s7+s16], $0x8, s23, s16, $0xb8;
	[tilespmem:$0x1AE30] =	vst v63  }
0xea: {  	s4 =	simm.s32 $0x1680;
	s8 =	simm.s32 $0xD400  }
0xeb: {  	[tilespmem:s8], [sflag:$0x2] =	stream.indirect.gather [hbm4b:s7+s16], $0x8, s4, s16, $0xb8;
	[tilespmem:$0x1AE30] =	vst v63  }
0xec: {  	s10 =	simm.s32 $0x1E80;
	s22 =	simm.s32 $0x11400  }
0xed: {  	[tilespmem:s22], [sflag:$0x2] =	stream.indirect.gather [hbm4b:s7+s16], $0x8, s10, s16, $0xb8;
	[tilespmem:$0x1AE30] =	vst v63  }
0xee: {  	s23 =	simm.s32 $0x1700;
	s29 =	simm.s32 $0xD800  }
0xef: {  	[tilespmem:s29], [sflag:$0x2] =	stream.indirect.gather [hbm4b:s7+s16], $0x8, s23, s16, $0xb8;
	[tilespmem:$0x1AE30] =	vst v63  }
0xf0: {  	s4 =	simm.s32 $0x1F00;
	s8 =	simm.s32 $0x11800  }
0xf1: {  	[tilespmem:s8], [sflag:$0x2] =	stream.indirect.gather [hbm4b:s7+s16], $0x8, s4, s16, $0xb8;
	[tilespmem:$0x1AE30] =	vst v63  }
0xf2: {  	s10 =	simm.s32 $0x1780;
	s22 =	simm.s32 $0xDC00  }
0xf3: {  	[tilespmem:s22], [sflag:$0x2] =	stream.indirect.gather [hbm4b:s7+s16], $0x8, s10, s16, $0xb8;
	[tilespmem:$0x1AE30] =	vst v63  }
0xf4: {  	s23 =	simm.s32 $0x1F80;
	s29 =	simm.s32 $0x11C00  }
0xf5: {  	[tilespmem:s29], [sflag:$0x2] =	stream.indirect.gather [hbm4b:s7+s16], $0x8, s23, s16, $0xb8;
	[tilespmem:$0x1AE30] =	vst v63  }
.LBB2_8:
0xf6: {  	_ =	swait.ge [sflag:s12], $0x4000  }
0xf7: {  	s22 =	simm.s32 $0x0;
	[sflag:s12] =	ssyncset.done $0x0  }
0xf8: {  	v21 =	vmov s22;
	[sflag:s12] =	ssyncadd.s32 $0xFFFFC000  }
0xf9: {  	v21 =	vshll.u32 v21, $0x3;
	_ =	swait.ge [sflag:s12], $0x4000  }
0xfa: {  	p0 =	seq.s32 s19, $0x0;
	v21 =	vor.u32 v6, v21;
	[sflag:s12] =	ssyncset.done $0x0  }
0xfb: {  	s0 =	simm.s32 @!p0 $0x3;
	v22 =	vor.u32 $0x1, v21;
	[sflag:s12] =	ssyncadd.s32 $0xFFFFC000  }
0xfc: {  	_ =	swait.ge @!p0 [sflag:s0], $0x2000  }
0xfd: {  	[sflag:s0] =	ssyncset.done @!p0 $0x0  }
0xfe: {  	v23 =	vor.u32 $0x2, v21;
	[sflag:s0] =	ssyncadd.s32 @!p0 $0xFFFFE000  }
0xff: {  	v24 =	vld.idx.msk [tilespmem:v21+s18+$0x0], $0xffff  }
0x100: {  	v25 =	vld.idx.msk [tilespmem:v22+s18+$0x0], $0xffff  }
0x101: {  	v21 =	vld.idx.msk [tilespmem:v21+s17+$0x0], $0xffff  }
0x102: {  	v22 =	vld.idx.msk [tilespmem:v22+s17+$0x0], $0xffff  }
0x103: {  	v26 =	vld.idx.msk [tilespmem:v23+s18+$0x0], $0xffff  }
0x104: {  	v23 =	vld.idx.msk [tilespmem:v23+s17+$0x0], $0xffff;
	_ =	sdelay $0x2  }
0x105: {  	v24 =	vsub.f32 v21, v24;
	v22 =	vsub.f32 v22, v25;
	_ =	sdelay $0x1  }
0x106: {  	v23 =	vsub.f32 v23, v26;
	v21 =	vmul.f32 v24, v24;
	v25 =	vmul.f32 v22, v22;
	_ =	sdelay $0x1  }
0x107: {  	v61 =	vmul.f32 v23, v23;
	v21 =	vadd.f32 v25, v21;
	_ =	sdelay $0x1  }
0x108: {  	v21 =	vadd.f32 v61, v21;
	_ =	sdelay $0x1  }
0x109: {  	v21 =	vadd.f32 $9.999999960e-13, v21;
	_ =	sdelay $0x1  }
0x10a: {  	v62 =	vshra.s32 v21, $0x1;
	v63 =	vmul.f32 $5.000000000e-01, v21  }
0x10b: {  	v25 =	vsub.s32 $0x5F3759DF, v62  }
0x10c: {  	v27 =	vmul.f32 v25, v63;
	_ =	sdelay $0x1  }
0x10d: {  	v27 =	vmul.f32 v25, v27;
	_ =	sdelay $0x1  }
0x10e: {  	v27 =	vsub.f32 $1.500000000e+00, v27;
	_ =	sdelay $0x1  }
0x10f: {  	v25 =	vmul.f32 v25, v27;
	_ =	sdelay $0x1  }
0x110: {  	v27 =	vmul.f32 v25, v63;
	_ =	sdelay $0x1  }
0x111: {  	v27 =	vmul.f32 v27, v25;
	_ =	sdelay $0x1  }
0x112: {  	v27 =	vsub.f32 $1.500000000e+00, v27;
	_ =	sdelay $0x1  }
0x113: {  	s29 =	simm.s32 $0x0;
	v25 =	vmul.f32 v27, v25  }
0x114: {  	s0 =	smul.u32 $0x600, s29  }
0x115: {  	v26 =	vmul.f32 v25, v63  }
0x116: {  	s0 =	sshra.s32 s0, $0x2  }
0x117: {  	s0 =	sadd.s32 $0x0, s0;
	v26 =	vmul.f32 v26, v25  }
0x118: {  	s4 =	simm.s32 $0x10;
	s10 =	sadd.s32 $0x12000, s0  }
0x119: {  	[tilespmem:s10+$0x80] =	vst v22;
	v22 =	vmov s4;
	v26 =	vsub.f32 $1.500000000e+00, v26  }
0x11a: {  	[tilespmem:s0+$0x12000] =	vst v24;
	v22 =	vshll.u32 v22, $0x3  }
0x11b: {  	s23 =	simm.s32 $0x40;
	s8 =	simm.s32 $0x80;
	s0 =	simm.s32 $0x0;
	[tilespmem:s10+$0x100] =	vst v23;
	v22 =	vor.u32 v6, v22;
	v23 =	vmul.f32 v26, v25  }
.LBB2_9:
0x11c: {  	p2 =	sne.s32 s8, $0x1FC0;
	v24 =	vor.u32 $0x1, v22  }
0x11d: {  	v21 =	vmul.f32 v23, v21;
	_ =	sdelay $0x1  }
0x11e: {  	v23 =	vor.u32 $0x2, v22;
	[tilespmem:s10+$0x180] =	vst v21  }
0x11f: {  	v21 =	vld.idx.msk [tilespmem:v22+s18+$0x0], $0xffff  }
0x120: {  	v25 =	vld.idx.msk [tilespmem:v24+s18+$0x0], $0xffff  }
0x121: {  	v22 =	vld.idx.msk [tilespmem:v22+s17+$0x0], $0xffff  }
0x122: {  	v24 =	vld.idx.msk [tilespmem:v24+s17+$0x0], $0xffff  }
0x123: {  	s22 =	sadd.s32 $0x1, s22;
	v26 =	vld.idx.msk [tilespmem:v23+s18+$0x0], $0xffff  }
0x124: {  	s10 =	sshrl.u32 s22, $0x3;
	v23 =	vld.idx.msk [tilespmem:v23+s17+$0x0], $0xffff  }
0x125: {  	s10 =	smul.u32 $0x600, s10;
	v27 =	vld [tilespmem:s0+$0x800];
	_ =	sdelay $0x1  }
0x126: {  	s10 =	sshra.s32 s10, $0x2;
	s0 =	sshra.s32 s23, $0x2;
	s23 =	smov.u32 s8  }
0x127: {  	s29 =	sadd.s32 s0, s10;
	v21 =	vsub.f32 v22, v21;
	v22 =	vsub.f32 v24, v25  }
0x128: {  	s10 =	sadd.s32 $0x12000, s29  }
0x129: {  	v24 =	vmul.f32 v21, v21;
	v23 =	vsub.f32 v23, v26;
	v25 =	vmul.f32 v22, v22;
	[tilespmem:s10+$0x80] =	vst v22  }
0x12a: {  	vm7 =	vge.s32 v27, v7;
	vm8 =	vge.s32 v27, v8;
	vm9 =	vge.s32 v27, v9;
	[tilespmem:s29+$0x12000] =	vst v21  }
0x12b: {  	vm10 =	vge.s32 v27, v10;
	v21 =	vadd.f32 v25, v24;
	v22 =	vmul.f32 v23, v23;
	[tilespmem:s10+$0x100] =	vst v23  }
0x12c: {  	vm11 =	vge.s32 v27, v11;
	vm12 =	vge.s32 v27, v12;
	vm13 =	vge.s32 v27, v13  }
0x12d: {  	v23 =	vsel vm8, $0x1, v2;
	v21 =	vadd.f32 v22, v21;
	v22 =	vsel vm7, $0x1, v2  }
0x12e: {  	v24 =	vsel vm9, $0x1, v2;
	v25 =	vsel vm10, $0x1, v2;
	v26 =	vsel vm11, $0x1, v2  }
0x12f: {  	v27 =	vsel vm12, $0x1, v2;
	v28 =	vsel vm13, $0x1, v2;
	v21 =	vadd.f32 $9.999999960e-13, v21  }
0x130: {  	v18 =	vadd.s32 v24, v18;
	v19 =	vadd.s32 v23, v19;
	v20 =	vadd.s32 v22, v20  }
0x131: {  	v17 =	vadd.s32 v25, v17;
	v22 =	vshra.s32 v21, $0x1;
	v23 =	vmul.f32 $5.000000000e-01, v21  }
0x132: {  	v16 =	vadd.s32 v26, v16;
	v15 =	vadd.s32 v27, v15;
	v22 =	vsub.s32 $0x5F3759DF, v22  }
0x133: {  	v14 =	vadd.s32 v28, v14;
	v24 =	vmul.f32 v22, v23;
	_ =	sdelay $0x1  }
0x134: {  	v24 =	vmul.f32 v22, v24;
	_ =	sdelay $0x1  }
0x135: {  	v24 =	vsub.f32 $1.500000000e+00, v24;
	_ =	sdelay $0x1  }
0x136: {  	v22 =	vmul.f32 v22, v24;
	_ =	sdelay $0x1  }
0x137: {  	v24 =	vmul.f32 v22, v23;
	_ =	sdelay $0x1  }
0x138: {  	v24 =	vmul.f32 v24, v22;
	_ =	sdelay $0x1  }
0x139: {  	v24 =	vsub.f32 $1.500000000e+00, v24;
	_ =	sdelay $0x1  }
0x13a: {  	v24 =	vmul.f32 v24, v22;
	_ =	sdelay $0x1  }
0x13b: {  	v22 =	vmul.f32 v24, v23;
	_ =	sdelay $0x1  }
.Ltmp7:
0x13c: {  	v22 =	vmul.f32 v22, v24;
	(pc) =	sbr.rel @p2 .LBB2_9-.Ltmp7, $4  }
0x13d: {  	s4 =	sadd.s32 $0x10, s4  }
0x13e: {  	v23 =	vmov s4;
	v25 =	vsub.f32 $1.500000000e+00, v22  }
0x13f: {  	v22 =	vshll.u32 v23, $0x3  }
0x140: {  	s8 =	sadd.s32 $0x40, s8;
	v22 =	vor.u32 v6, v22;
	v23 =	vmul.f32 v25, v24  }
0x141: {  	_ = 	snop  }
0x142: {  	v24 =	vor.u32 $0x1, v22;
	v21 =	vmul.f32 v23, v21;
	_ =	sdelay $0x1  }
0x143: {  	v23 =	vor.u32 $0x2, v22;
	[tilespmem:s10+$0x180] =	vst v21  }
0x144: {  	v21 =	vld.idx.msk [tilespmem:v22+s18+$0x0], $0xffff  }
0x145: {  	v22 =	vld.idx.msk [tilespmem:v22+s17+$0x0], $0xffff  }
0x146: {  	v25 =	vld.idx.msk [tilespmem:v24+s18+$0x0], $0xffff  }
0x147: {  	v24 =	vld.idx.msk [tilespmem:v24+s17+$0x0], $0xffff  }
0x148: {  	v26 =	vld.idx.msk [tilespmem:v23+s18+$0x0], $0xffff  }
0x149: {  	v23 =	vld.idx.msk [tilespmem:v23+s17+$0x0], $0xffff;
	_ =	sdelay $0x2  }
0x14a: {  	v21 =	vsub.f32 v22, v21;
	v22 =	vsub.f32 v24, v25;
	_ =	sdelay $0x1  }
0x14b: {  	v23 =	vsub.f32 v23, v26;
	v51 =	vmul.f32 v21, v21;
	v25 =	vmul.f32 v22, v22;
	_ =	sdelay $0x1  }
0x14c: {  	v52 =	vmul.f32 v23, v23;
	v24 =	vadd.f32 v25, v51;
	_ =	sdelay $0x1  }
0x14d: {  	v24 =	vadd.f32 v52, v24;
	_ =	sdelay $0x1  }
0x14e: {  	v24 =	vadd.f32 $9.999999960e-13, v24;
	_ =	sdelay $0x1  }
0x14f: {  	v53 =	vshra.s32 v24, $0x1;
	v54 =	vmul.f32 $5.000000000e-01, v24  }
0x150: {  	v25 =	vsub.s32 $0x5F3759DF, v53  }
0x151: {  	v27 =	vmul.f32 v25, v54;
	_ =	sdelay $0x1  }
0x152: {  	v27 =	vmul.f32 v25, v27;
	_ =	sdelay $0x1  }
0x153: {  	v27 =	vsub.f32 $1.500000000e+00, v27;
	_ =	sdelay $0x1  }
0x154: {  	v25 =	vmul.f32 v25, v27;
	_ =	sdelay $0x1  }
0x155: {  	v27 =	vmul.f32 v25, v54;
	_ =	sdelay $0x1  }
0x156: {  	v27 =	vmul.f32 v27, v25;
	_ =	sdelay $0x1  }
0x157: {  	v27 =	vsub.f32 $1.500000000e+00, v27;
	_ =	sdelay $0x1  }
0x158: {  	v25 =	vmul.f32 v27, v25;
	_ =	sdelay $0x1  }
0x159: {  	v26 =	vmul.f32 v25, v54  }
0x15a: {  	s4 =	sadd.s32 $0x1, s22  }
0x15b: {  	s4 =	sshrl.u32 s4, $0x3;
	v26 =	vmul.f32 v26, v25  }
0x15c: {  	s4 =	smul.u32 $0x600, s4  }
0x15d: {  	v55 =	vld [tilespmem:s0+$0x800];
	v26 =	vsub.f32 $1.500000000e+00, v26  }
0x15e: {  	s23 =	sshra.s32 s23, $0x2;
	s22 =	sshra.s32 s4, $0x2  }
0x15f: {  	s0 =	sadd.s32 s23, s22;
	v25 =	vmul.f32 v26, v25  }
0x160: {  	s8 =	sadd.s32 $0x12000, s0;
	[tilespmem:s0+$0x12000] =	vst v21  }
0x161: {  	[tilespmem:s8+$0x80] =	vst v22;
	v21 =	vmul.f32 v25, v24  }
0x162: {  	vm7 =	vge.s32 v55, v7;
	vm8 =	vge.s32 v55, v8;
	vm9 =	vge.s32 v55, v9;
	[tilespmem:s8+$0x100] =	vst v23  }
0x163: {  	vm10 =	vge.s32 v55, v10;
	vm11 =	vge.s32 v55, v11;
	vm12 =	vge.s32 v55, v12;
	[tilespmem:s8+$0x180] =	vst v21  }
0x164: {  	vm13 =	vge.s32 v55, v13;
	v56 =	vsel vm9, $0x1, v2;
	v57 =	vsel vm10, $0x1, v2;
	v23 =	vld [tilespmem:s23+$0x800]  }
0x165: {  	v58 =	vsel vm11, $0x1, v2;
	v59 =	vsel vm12, $0x1, v2;
	v28 =	vsel vm13, $0x1, v2  }
0x166: {  	v18 =	vadd.s32 v56, v18;
	v17 =	vadd.s32 v57, v17;
	v16 =	vadd.s32 v58, v16  }
0x167: {  	v15 =	vadd.s32 v59, v15;
	v22 =	vsel vm8, $0x1, v2;
	v21 =	vsel vm7, $0x1, v2  }
0x168: {  	v14 =	vadd.s32 v28, v14;
	v19 =	vadd.s32 v22, v19;
	v20 =	vadd.s32 v21, v20  }
0x169: {  	vm7 =	vge.s32 v23, v7;
	vm8 =	vge.s32 v23, v8;
	vm9 =	vge.s32 v23, v9  }
0x16a: {  	p2 =	sgt.u32 s21, $0xBF4;
	vm10 =	vge.s32 v23, v10;
	vm11 =	vge.s32 v23, v11;
	vm12 =	vge.s32 v23, v12  }
.Ltmp8:
0x16b: {  	vm13 =	vge.s32 v23, v13;
	v21 =	vsel vm7, $0x1, v2;
	v22 =	vsel vm8, $0x1, v2;
	(pc) =	sbr.rel @p2 .LBB2_12-.Ltmp8, $4  }
0x16c: {  	v23 =	vsel vm9, $0x1, v2;
	v60 =	vsel vm10, $0x1, v2;
	v61 =	vsel vm11, $0x1, v2  }
0x16d: {  	s29 =	sshll.u32 s21, $0xA;
	v62 =	vsel vm12, $0x1, v2;
	v63 =	vsel vm13, $0x1, v2;
	v20 =	vadd.s32 v21, v20  }
0x16e: {  	s0 =	sadd.s32 s3, s29;
	v19 =	vadd.s32 v22, v19;
	v18 =	vadd.s32 v23, v18;
	v17 =	vadd.s32 v60, v17  }
0x16f: {  	[hbm4b:s0+s5] =	stream.linear.scatter [tilespmem:s31], [sflag:$0x3], $0x2000, $0x38;
	v16 =	vadd.s32 v61, v16;
	v15 =	vadd.s32 v62, v15;
	v14 =	vadd.s32 v63, v14;
	[tilespmem:$0x1AE30] =	vst v63  }
0x170: {  	s0 =	sshll.u32 s21, $0x8  }
0x171: {  	s0 =	sand.u32 $0x1FFFFF00, s0  }
0x172: {  	s0 =	sadd.s32 s1, s0  }
0x173: {  	s4 =	sadd.s32 $0x4000, s0  }
0x174: {  	[tilespmem:s5], [sflag:$0x5] =	stream.linear.gather [hbm4b:s4+s5], $0x800, $0x38;
	[tilespmem:$0x1AE30] =	vst v63  }
0x175: {  	_ =	swait.ge [sflag:s15], $0x800  }
0x176: {  	[sflag:s15] =	ssyncset.done $0x0  }
0x177: {  	s0 =	sadd.s32 $0xC7500, s0;
	[sflag:s15] =	ssyncadd.s32 $0xFFFFF800  }
0x178: {  	[tilespmem:s11], [sflag:$0x5] =	stream.linear.gather [hbm4b:s0+s5], $0x800, $0x38;
	[tilespmem:$0x1AE30] =	vst v63  }
0x179: {  	_ =	swait.ge [sflag:s15], $0x800  }
0x17a: {  	[sflag:s15] =	ssyncset.done $0x0  }
0x17b: {  	[sflag:s15] =	ssyncadd.s32 $0xFFFFF800  }
0x17c: {  	[tilespmem:s17], [sflag:$0x1] =	stream.indirect.gather [hbm4b:s7+s16], $0x8, s5, s16, $0xb8;
	[tilespmem:$0x1AE30] =	vst v63  }
0x17d: {  	_ = 	snop  }
0x17e: {  	[tilespmem:s18], [sflag:$0x1] =	stream.indirect.gather [hbm4b:s7+s16], $0x8, s11, s16, $0xb8;
	[tilespmem:$0x1AE30] =	vst v63  }
0x17f: {  	s10 =	simm.s32 $0x2400  }
0x180: {  	[tilespmem:s10], [sflag:$0x1] =	stream.indirect.gather [hbm4b:s7+s16], $0x8, s16, s16, $0xb8;
	[tilespmem:$0x1AE30] =	vst v63  }
0x181: {  	s21 =	simm.s32 $0x880;
	s22 =	simm.s32 $0x6400  }
0x182: {  	[tilespmem:s22], [sflag:$0x1] =	stream.indirect.gather [hbm4b:s7+s16], $0x8, s21, s16, $0xb8;
	[tilespmem:$0x1AE30] =	vst v63  }
0x183: {  	s23 =	simm.s32 $0x100;
	s29 =	simm.s32 $0x2800  }
0x184: {  	[tilespmem:s29], [sflag:$0x1] =	stream.indirect.gather [hbm4b:s7+s16], $0x8, s23, s16, $0xb8;
	[tilespmem:$0x1AE30] =	vst v63  }
0x185: {  	s8 =	simm.s32 $0x900;
	s10 =	simm.s32 $0x6800  }
0x186: {  	[tilespmem:s10], [sflag:$0x1] =	stream.indirect.gather [hbm4b:s7+s16], $0x8, s8, s16, $0xb8;
	[tilespmem:$0x1AE30] =	vst v63  }
0x187: {  	s21 =	simm.s32 $0x180;
	s22 =	simm.s32 $0x2C00  }
0x188: {  	[tilespmem:s22], [sflag:$0x1] =	stream.indirect.gather [hbm4b:s7+s16], $0x8, s21, s16, $0xb8;
	[tilespmem:$0x1AE30] =	vst v63  }
0x189: {  	s23 =	simm.s32 $0x980;
	s29 =	simm.s32 $0x6C00  }
0x18a: {  	[tilespmem:s29], [sflag:$0x1] =	stream.indirect.gather [hbm4b:s7+s16], $0x8, s23, s16, $0xb8;
	[tilespmem:$0x1AE30] =	vst v63  }
0x18b: {  	s8 =	simm.s32 $0x200;
	s10 =	simm.s32 $0x3000  }
0x18c: {  	[tilespmem:s10], [sflag:$0x1] =	stream.indirect.gather [hbm4b:s7+s16], $0x8, s8, s16, $0xb8;
	[tilespmem:$0x1AE30] =	vst v63  }
0x18d: {  	s21 =	simm.s32 $0xA00;
	s22 =	simm.s32 $0x7000  }
0x18e: {  	[tilespmem:s22], [sflag:$0x1] =	stream.indirect.gather [hbm4b:s7+s16], $0x8, s21, s16, $0xb8;
	[tilespmem:$0x1AE30] =	vst v63  }
0x18f: {  	s23 =	simm.s32 $0x280;
	s29 =	simm.s32 $0x3400  }
0x190: {  	[tilespmem:s29], [sflag:$0x1] =	stream.indirect.gather [hbm4b:s7+s16], $0x8, s23, s16, $0xb8;
	[tilespmem:$0x1AE30] =	vst v63  }
0x191: {  	s8 =	simm.s32 $0xA80;
	s10 =	simm.s32 $0x7400  }
0x192: {  	[tilespmem:s10], [sflag:$0x1] =	stream.indirect.gather [hbm4b:s7+s16], $0x8, s8, s16, $0xb8;
	[tilespmem:$0x1AE30] =	vst v63  }
0x193: {  	s21 =	simm.s32 $0x300;
	s22 =	simm.s32 $0x3800  }
0x194: {  	[tilespmem:s22], [sflag:$0x1] =	stream.indirect.gather [hbm4b:s7+s16], $0x8, s21, s16, $0xb8;
	[tilespmem:$0x1AE30] =	vst v63  }
0x195: {  	s23 =	simm.s32 $0xB00;
	s29 =	simm.s32 $0x7800  }
0x196: {  	[tilespmem:s29], [sflag:$0x1] =	stream.indirect.gather [hbm4b:s7+s16], $0x8, s23, s16, $0xb8;
	[tilespmem:$0x1AE30] =	vst v63  }
0x197: {  	s8 =	simm.s32 $0x380;
	s10 =	simm.s32 $0x3C00  }
0x198: {  	[tilespmem:s10], [sflag:$0x1] =	stream.indirect.gather [hbm4b:s7+s16], $0x8, s8, s16, $0xb8;
	[tilespmem:$0x1AE30] =	vst v63  }
0x199: {  	s21 =	simm.s32 $0xB80;
	s22 =	simm.s32 $0x7C00  }
0x19a: {  	[tilespmem:s22], [sflag:$0x1] =	stream.indirect.gather [hbm4b:s7+s16], $0x8, s21, s16, $0xb8;
	[tilespmem:$0x1AE30] =	vst v63  }
0x19b: {  	s23 =	simm.s32 $0x400;
	s29 =	simm.s32 $0x4000  }
0x19c: {  	[tilespmem:s29], [sflag:$0x1] =	stream.indirect.gather [hbm4b:s7+s16], $0x8, s23, s16, $0xb8;
	[tilespmem:$0x1AE30] =	vst v63  }
0x19d: {  	s8 =	simm.s32 $0xC00;
	s10 =	simm.s32 $0x8000  }
0x19e: {  	[tilespmem:s10], [sflag:$0x1] =	stream.indirect.gather [hbm4b:s7+s16], $0x8, s8, s16, $0xb8;
	[tilespmem:$0x1AE30] =	vst v63  }
0x19f: {  	s21 =	simm.s32 $0x480;
	s22 =	simm.s32 $0x4400  }
0x1a0: {  	[tilespmem:s22], [sflag:$0x1] =	stream.indirect.gather [hbm4b:s7+s16], $0x8, s21, s16, $0xb8;
	[tilespmem:$0x1AE30] =	vst v63  }
0x1a1: {  	s23 =	simm.s32 $0xC80;
	s29 =	simm.s32 $0x8400  }
0x1a2: {  	[tilespmem:s29], [sflag:$0x1] =	stream.indirect.gather [hbm4b:s7+s16], $0x8, s23, s16, $0xb8;
	[tilespmem:$0x1AE30] =	vst v63  }
0x1a3: {  	s8 =	simm.s32 $0x500;
	s10 =	simm.s32 $0x4800  }
0x1a4: {  	[tilespmem:s10], [sflag:$0x1] =	stream.indirect.gather [hbm4b:s7+s16], $0x8, s8, s16, $0xb8;
	[tilespmem:$0x1AE30] =	vst v63  }
0x1a5: {  	s21 =	simm.s32 $0xD00;
	s22 =	simm.s32 $0x8800  }
0x1a6: {  	[tilespmem:s22], [sflag:$0x1] =	stream.indirect.gather [hbm4b:s7+s16], $0x8, s21, s16, $0xb8;
	[tilespmem:$0x1AE30] =	vst v63  }
0x1a7: {  	s23 =	simm.s32 $0x580;
	s29 =	simm.s32 $0x4C00  }
0x1a8: {  	[tilespmem:s29], [sflag:$0x1] =	stream.indirect.gather [hbm4b:s7+s16], $0x8, s23, s16, $0xb8;
	[tilespmem:$0x1AE30] =	vst v63  }
0x1a9: {  	s8 =	simm.s32 $0xD80;
	s10 =	simm.s32 $0x8C00  }
0x1aa: {  	[tilespmem:s10], [sflag:$0x1] =	stream.indirect.gather [hbm4b:s7+s16], $0x8, s8, s16, $0xb8;
	[tilespmem:$0x1AE30] =	vst v63  }
0x1ab: {  	s21 =	simm.s32 $0x600;
	s22 =	simm.s32 $0x5000  }
0x1ac: {  	[tilespmem:s22], [sflag:$0x1] =	stream.indirect.gather [hbm4b:s7+s16], $0x8, s21, s16, $0xb8;
	[tilespmem:$0x1AE30] =	vst v63  }
0x1ad: {  	s23 =	simm.s32 $0xE00;
	s29 =	simm.s32 $0x9000  }
0x1ae: {  	[tilespmem:s29], [sflag:$0x1] =	stream.indirect.gather [hbm4b:s7+s16], $0x8, s23, s16, $0xb8;
	[tilespmem:$0x1AE30] =	vst v63  }
0x1af: {  	s8 =	simm.s32 $0x680;
	s10 =	simm.s32 $0x5400  }
0x1b0: {  	[tilespmem:s10], [sflag:$0x1] =	stream.indirect.gather [hbm4b:s7+s16], $0x8, s8, s16, $0xb8;
	[tilespmem:$0x1AE30] =	vst v63  }
0x1b1: {  	s21 =	simm.s32 $0xE80;
	s22 =	simm.s32 $0x9400  }
0x1b2: {  	[tilespmem:s22], [sflag:$0x1] =	stream.indirect.gather [hbm4b:s7+s16], $0x8, s21, s16, $0xb8;
	[tilespmem:$0x1AE30] =	vst v63  }
0x1b3: {  	s23 =	simm.s32 $0x700;
	s29 =	simm.s32 $0x5800  }
0x1b4: {  	[tilespmem:s29], [sflag:$0x1] =	stream.indirect.gather [hbm4b:s7+s16], $0x8, s23, s16, $0xb8;
	[tilespmem:$0x1AE30] =	vst v63  }
0x1b5: {  	s8 =	simm.s32 $0xF00;
	s10 =	simm.s32 $0x9800  }
0x1b6: {  	[tilespmem:s10], [sflag:$0x1] =	stream.indirect.gather [hbm4b:s7+s16], $0x8, s8, s16, $0xb8;
	[tilespmem:$0x1AE30] =	vst v63  }
.Ltmp9:
0x1b7: {  	_ = 	snop;
	(pc) =	sbr.rel .LBB2_13-.Ltmp9, $4  }
0x1b8: {  	s21 =	simm.s32 $0x780;
	s22 =	simm.s32 $0x5C00  }
0x1b9: {  	[tilespmem:s22], [sflag:$0x1] =	stream.indirect.gather [hbm4b:s7+s16], $0x8, s21, s16, $0xb8;
	[tilespmem:$0x1AE30] =	vst v63  }
0x1ba: {  	s23 =	simm.s32 $0xF80;
	s29 =	simm.s32 $0x9C00  }
0x1bb: {  	[tilespmem:s29], [sflag:$0x1] =	stream.indirect.gather [hbm4b:s7+s16], $0x8, s23, s16, $0xb8;
	[tilespmem:$0x1AE30] =	vst v63  }
.LBB2_12:
.Ltmp10:
0x1bc: {  	(pc) =	sbr.rel @p1 .LBB2_16-.Ltmp10, $1  }
0x1bd: {  	_ =	sdelay $0x3  }
.LBB2_13:
0x1be: {  	_ =	swait.ge [sflag:s13], $0x4000  }
0x1bf: {  	s21 =	simm.s32 $0x0;
	[sflag:s13] =	ssyncset.done $0x0  }
0x1c0: {  	v21 =	vmov s21;
	[sflag:s13] =	ssyncadd.s32 $0xFFFFC000  }
0x1c1: {  	v21 =	vshll.u32 v21, $0x3;
	_ =	swait.ge [sflag:s13], $0x4000  }
0x1c2: {  	v21 =	vor.u32 v6, v21;
	[sflag:s13] =	ssyncset.done $0x0  }
0x1c3: {  	s0 =	simm.s32 @!p0 $0x4;
	v22 =	vor.u32 $0x1, v21;
	[sflag:s13] =	ssyncadd.s32 $0xFFFFC000  }
0x1c4: {  	_ =	swait.ge @!p0 [sflag:s0], $0x2000  }
0x1c5: {  	[sflag:s0] =	ssyncset.done @!p0 $0x0  }
0x1c6: {  	v23 =	vor.u32 $0x2, v21;
	[sflag:s0] =	ssyncadd.s32 @!p0 $0xFFFFE000  }
0x1c7: {  	v24 =	vld.idx.msk [tilespmem:v21+s28+$0x0], $0xffff  }
0x1c8: {  	v25 =	vld.idx.msk [tilespmem:v22+s28+$0x0], $0xffff  }
0x1c9: {  	v21 =	vld.idx.msk [tilespmem:v21+s26+$0x0], $0xffff  }
0x1ca: {  	v22 =	vld.idx.msk [tilespmem:v22+s26+$0x0], $0xffff  }
0x1cb: {  	v26 =	vld.idx.msk [tilespmem:v23+s28+$0x0], $0xffff  }
0x1cc: {  	v23 =	vld.idx.msk [tilespmem:v23+s26+$0x0], $0xffff;
	_ =	sdelay $0x2  }
0x1cd: {  	v24 =	vsub.f32 v21, v24;
	v22 =	vsub.f32 v22, v25;
	_ =	sdelay $0x1  }
0x1ce: {  	v23 =	vsub.f32 v23, v26;
	v21 =	vmul.f32 v24, v24;
	v25 =	vmul.f32 v22, v22;
	_ =	sdelay $0x1  }
0x1cf: {  	v61 =	vmul.f32 v23, v23;
	v21 =	vadd.f32 v25, v21;
	_ =	sdelay $0x1  }
0x1d0: {  	v21 =	vadd.f32 v61, v21;
	_ =	sdelay $0x1  }
0x1d1: {  	v21 =	vadd.f32 $9.999999960e-13, v21;
	_ =	sdelay $0x1  }
0x1d2: {  	v62 =	vshra.s32 v21, $0x1;
	v63 =	vmul.f32 $5.000000000e-01, v21  }
0x1d3: {  	v25 =	vsub.s32 $0x5F3759DF, v62  }
0x1d4: {  	v27 =	vmul.f32 v25, v63;
	_ =	sdelay $0x1  }
0x1d5: {  	v27 =	vmul.f32 v25, v27;
	_ =	sdelay $0x1  }
0x1d6: {  	v27 =	vsub.f32 $1.500000000e+00, v27;
	_ =	sdelay $0x1  }
0x1d7: {  	v25 =	vmul.f32 v25, v27;
	_ =	sdelay $0x1  }
0x1d8: {  	v27 =	vmul.f32 v25, v63;
	_ =	sdelay $0x1  }
0x1d9: {  	v27 =	vmul.f32 v27, v25;
	_ =	sdelay $0x1  }
0x1da: {  	v27 =	vsub.f32 $1.500000000e+00, v27;
	_ =	sdelay $0x1  }
0x1db: {  	s29 =	simm.s32 $0x0;
	v25 =	vmul.f32 v27, v25  }
0x1dc: {  	s0 =	smul.u32 $0x600, s29  }
0x1dd: {  	v26 =	vmul.f32 v25, v63  }
0x1de: {  	s0 =	sshra.s32 s0, $0x2  }
0x1df: {  	s0 =	sadd.s32 $0x0, s0;
	v26 =	vmul.f32 v26, v25  }
0x1e0: {  	s4 =	simm.s32 $0x10;
	s10 =	sadd.s32 $0x14000, s0  }
0x1e1: {  	[tilespmem:s10+$0x80] =	vst v22;
	v22 =	vmov s4;
	v26 =	vsub.f32 $1.500000000e+00, v26  }
0x1e2: {  	[tilespmem:s0+$0x14000] =	vst v24;
	v22 =	vshll.u32 v22, $0x3  }
0x1e3: {  	s22 =	simm.s32 $0x40;
	s8 =	simm.s32 $0x80;
	s0 =	simm.s32 $0x0;
	[tilespmem:s10+$0x100] =	vst v23;
	v22 =	vor.u32 v6, v22;
	v23 =	vmul.f32 v26, v25  }
.LBB2_14:
0x1e4: {  	p0 =	sne.s32 s8, $0x1FC0;
	v24 =	vor.u32 $0x1, v22  }
0x1e5: {  	v21 =	vmul.f32 v23, v21;
	_ =	sdelay $0x1  }
0x1e6: {  	v23 =	vor.u32 $0x2, v22;
	[tilespmem:s10+$0x180] =	vst v21  }
0x1e7: {  	v21 =	vld.idx.msk [tilespmem:v22+s28+$0x0], $0xffff  }
0x1e8: {  	v25 =	vld.idx.msk [tilespmem:v24+s28+$0x0], $0xffff  }
0x1e9: {  	v22 =	vld.idx.msk [tilespmem:v22+s26+$0x0], $0xffff  }
0x1ea: {  	v24 =	vld.idx.msk [tilespmem:v24+s26+$0x0], $0xffff  }
0x1eb: {  	s21 =	sadd.s32 $0x1, s21;
	v26 =	vld.idx.msk [tilespmem:v23+s28+$0x0], $0xffff  }
0x1ec: {  	s10 =	sshrl.u32 s21, $0x3;
	v23 =	vld.idx.msk [tilespmem:v23+s26+$0x0], $0xffff  }
0x1ed: {  	s10 =	smul.u32 $0x600, s10;
	v27 =	vld [tilespmem:s0+$0x1800];
	_ =	sdelay $0x1  }
0x1ee: {  	s10 =	sshra.s32 s10, $0x2;
	s0 =	sshra.s32 s22, $0x2;
	s22 =	smov.u32 s8  }
0x1ef: {  	s23 =	sadd.s32 s0, s10;
	v21 =	vsub.f32 v22, v21;
	v22 =	vsub.f32 v24, v25  }
0x1f0: {  	s10 =	sadd.s32 $0x14000, s23  }
0x1f1: {  	v24 =	vmul.f32 v21, v21;
	v23 =	vsub.f32 v23, v26;
	v25 =	vmul.f32 v22, v22;
	[tilespmem:s10+$0x80] =	vst v22  }
0x1f2: {  	vm7 =	vge.s32 v27, v7;
	vm8 =	vge.s32 v27, v8;
	vm9 =	vge.s32 v27, v9;
	[tilespmem:s23+$0x14000] =	vst v21  }
0x1f3: {  	vm10 =	vge.s32 v27, v10;
	v21 =	vadd.f32 v25, v24;
	v22 =	vmul.f32 v23, v23;
	[tilespmem:s10+$0x100] =	vst v23  }
0x1f4: {  	vm11 =	vge.s32 v27, v11;
	vm12 =	vge.s32 v27, v12;
	vm13 =	vge.s32 v27, v13  }
0x1f5: {  	v23 =	vsel vm8, $0x1, v2;
	v21 =	vadd.f32 v22, v21;
	v22 =	vsel vm7, $0x1, v2  }
0x1f6: {  	v24 =	vsel vm9, $0x1, v2;
	v25 =	vsel vm10, $0x1, v2;
	v26 =	vsel vm11, $0x1, v2  }
0x1f7: {  	v27 =	vsel vm12, $0x1, v2;
	v28 =	vsel vm13, $0x1, v2;
	v21 =	vadd.f32 $9.999999960e-13, v21  }
0x1f8: {  	v18 =	vadd.s32 v24, v18;
	v19 =	vadd.s32 v23, v19;
	v20 =	vadd.s32 v22, v20  }
0x1f9: {  	v17 =	vadd.s32 v25, v17;
	v22 =	vshra.s32 v21, $0x1;
	v23 =	vmul.f32 $5.000000000e-01, v21  }
0x1fa: {  	v16 =	vadd.s32 v26, v16;
	v15 =	vadd.s32 v27, v15;
	v22 =	vsub.s32 $0x5F3759DF, v22  }
0x1fb: {  	v14 =	vadd.s32 v28, v14;
	v24 =	vmul.f32 v22, v23;
	_ =	sdelay $0x1  }
0x1fc: {  	v24 =	vmul.f32 v22, v24;
	_ =	sdelay $0x1  }
0x1fd: {  	v24 =	vsub.f32 $1.500000000e+00, v24;
	_ =	sdelay $0x1  }
0x1fe: {  	v22 =	vmul.f32 v22, v24;
	_ =	sdelay $0x1  }
0x1ff: {  	v24 =	vmul.f32 v22, v23;
	_ =	sdelay $0x1  }
0x200: {  	v24 =	vmul.f32 v24, v22;
	_ =	sdelay $0x1  }
0x201: {  	v24 =	vsub.f32 $1.500000000e+00, v24;
	_ =	sdelay $0x1  }
0x202: {  	v24 =	vmul.f32 v24, v22;
	_ =	sdelay $0x1  }
0x203: {  	v22 =	vmul.f32 v24, v23;
	_ =	sdelay $0x1  }
.Ltmp11:
0x204: {  	v22 =	vmul.f32 v22, v24;
	(pc) =	sbr.rel @p0 .LBB2_14-.Ltmp11, $4  }
0x205: {  	s4 =	sadd.s32 $0x10, s4  }
0x206: {  	v23 =	vmov s4;
	v25 =	vsub.f32 $1.500000000e+00, v22  }
0x207: {  	v22 =	vshll.u32 v23, $0x3  }
0x208: {  	s8 =	sadd.s32 $0x40, s8;
	v22 =	vor.u32 v6, v22;
	v23 =	vmul.f32 v25, v24  }
0x209: {  	_ = 	snop  }
0x20a: {  	v24 =	vor.u32 $0x1, v22;
	v21 =	vmul.f32 v23, v21;
	_ =	sdelay $0x1  }
0x20b: {  	v23 =	vor.u32 $0x2, v22;
	[tilespmem:s10+$0x180] =	vst v21  }
0x20c: {  	v21 =	vld.idx.msk [tilespmem:v22+s28+$0x0], $0xffff  }
0x20d: {  	v22 =	vld.idx.msk [tilespmem:v22+s26+$0x0], $0xffff  }
0x20e: {  	v25 =	vld.idx.msk [tilespmem:v24+s28+$0x0], $0xffff  }
0x20f: {  	v24 =	vld.idx.msk [tilespmem:v24+s26+$0x0], $0xffff  }
0x210: {  	v26 =	vld.idx.msk [tilespmem:v23+s28+$0x0], $0xffff  }
0x211: {  	v23 =	vld.idx.msk [tilespmem:v23+s26+$0x0], $0xffff;
	_ =	sdelay $0x2  }
0x212: {  	v21 =	vsub.f32 v22, v21;
	v22 =	vsub.f32 v24, v25;
	_ =	sdelay $0x1  }
0x213: {  	v23 =	vsub.f32 v23, v26;
	v51 =	vmul.f32 v21, v21;
	v25 =	vmul.f32 v22, v22;
	_ =	sdelay $0x1  }
0x214: {  	v52 =	vmul.f32 v23, v23;
	v24 =	vadd.f32 v25, v51;
	_ =	sdelay $0x1  }
0x215: {  	v24 =	vadd.f32 v52, v24;
	_ =	sdelay $0x1  }
0x216: {  	v24 =	vadd.f32 $9.999999960e-13, v24;
	_ =	sdelay $0x1  }
0x217: {  	v53 =	vshra.s32 v24, $0x1;
	v54 =	vmul.f32 $5.000000000e-01, v24  }
0x218: {  	v25 =	vsub.s32 $0x5F3759DF, v53  }
0x219: {  	v27 =	vmul.f32 v25, v54;
	_ =	sdelay $0x1  }
0x21a: {  	v27 =	vmul.f32 v25, v27;
	_ =	sdelay $0x1  }
0x21b: {  	v27 =	vsub.f32 $1.500000000e+00, v27;
	_ =	sdelay $0x1  }
0x21c: {  	v25 =	vmul.f32 v25, v27;
	_ =	sdelay $0x1  }
0x21d: {  	v27 =	vmul.f32 v25, v54;
	_ =	sdelay $0x1  }
0x21e: {  	v27 =	vmul.f32 v27, v25;
	_ =	sdelay $0x1  }
0x21f: {  	v27 =	vsub.f32 $1.500000000e+00, v27;
	_ =	sdelay $0x1  }
0x220: {  	v25 =	vmul.f32 v27, v25;
	_ =	sdelay $0x1  }
0x221: {  	v26 =	vmul.f32 v25, v54  }
0x222: {  	s4 =	sadd.s32 $0x1, s21  }
0x223: {  	s4 =	sshrl.u32 s4, $0x3;
	v26 =	vmul.f32 v26, v25  }
0x224: {  	s4 =	smul.u32 $0x600, s4  }
0x225: {  	v55 =	vld [tilespmem:s0+$0x1800];
	v26 =	vsub.f32 $1.500000000e+00, v26  }
0x226: {  	s23 =	sshra.s32 s22, $0x2;
	s21 =	sshra.s32 s4, $0x2  }
0x227: {  	s0 =	sadd.s32 s23, s21;
	v25 =	vmul.f32 v26, v25  }
0x228: {  	s8 =	sadd.s32 $0x14000, s0;
	[tilespmem:s0+$0x14000] =	vst v21  }
0x229: {  	[tilespmem:s8+$0x80] =	vst v22;
	v21 =	vmul.f32 v25, v24  }
0x22a: {  	vm7 =	vge.s32 v55, v7;
	vm8 =	vge.s32 v55, v8;
	vm9 =	vge.s32 v55, v9;
	[tilespmem:s8+$0x100] =	vst v23  }
0x22b: {  	vm10 =	vge.s32 v55, v10;
	vm11 =	vge.s32 v55, v11;
	vm12 =	vge.s32 v55, v12;
	[tilespmem:s8+$0x180] =	vst v21  }
0x22c: {  	vm13 =	vge.s32 v55, v13;
	v56 =	vsel vm9, $0x1, v2;
	v57 =	vsel vm10, $0x1, v2;
	v23 =	vld [tilespmem:s23+$0x1800]  }
0x22d: {  	v58 =	vsel vm11, $0x1, v2;
	v59 =	vsel vm12, $0x1, v2;
	v28 =	vsel vm13, $0x1, v2  }
0x22e: {  	v18 =	vadd.s32 v56, v18;
	v17 =	vadd.s32 v57, v17;
	v16 =	vadd.s32 v58, v16  }
0x22f: {  	v15 =	vadd.s32 v59, v15;
	v22 =	vsel vm8, $0x1, v2;
	v21 =	vsel vm7, $0x1, v2  }
0x230: {  	v14 =	vadd.s32 v28, v14;
	v19 =	vadd.s32 v22, v19;
	v20 =	vadd.s32 v21, v20  }
0x231: {  	vm7 =	vge.s32 v23, v7;
	vm8 =	vge.s32 v23, v8;
	vm9 =	vge.s32 v23, v9  }
0x232: {  	vm10 =	vge.s32 v23, v10;
	vm11 =	vge.s32 v23, v11;
	vm12 =	vge.s32 v23, v12  }
.Ltmp12:
0x233: {  	vm13 =	vge.s32 v23, v13;
	v21 =	vsel vm7, $0x1, v2;
	v22 =	vsel vm8, $0x1, v2;
	(pc) =	sbr.rel .LBB2_16-.Ltmp12, $4  }
0x234: {  	v23 =	vsel vm9, $0x1, v2;
	v60 =	vsel vm10, $0x1, v2;
	v61 =	vsel vm11, $0x1, v2  }
0x235: {  	s29 =	sshll.u32 s20, $0xA;
	v62 =	vsel vm12, $0x1, v2;
	v63 =	vsel vm13, $0x1, v2;
	v20 =	vadd.s32 v21, v20  }
0x236: {  	s0 =	sadd.s32 s3, s29;
	v19 =	vadd.s32 v22, v19;
	v18 =	vadd.s32 v23, v18;
	v17 =	vadd.s32 v60, v17  }
0x237: {  	[hbm4b:s0+s5] =	stream.linear.scatter [tilespmem:s30], [sflag:$0x4], $0x2000, $0x38;
	v16 =	vadd.s32 v61, v16;
	v15 =	vadd.s32 v62, v15;
	v14 =	vadd.s32 v63, v14;
	[tilespmem:$0x1AE30] =	vst v63  }
.LBB2_18:
0x238: {  	_ =	sfence.sel $0x180000  }
0x239: {  	[bflag:$0x0] =	sbarrier.arrive $0xFFFF  }
0x23a: {  	_ =	strace $0x9000004A  }
0x23b: {  	s0 =	stileid.u32;
	[bflag:$0x2] =	sbarrier.arrive $0xFFFF  }
0x23c: {  	p0 =	sne.s32 s0, $0x0;
	s0 =	rddreg [dreg:$0x5]  }
0x23d: {  	s0 =	sadd.s32 @!p0 $0x100000, s0  }
0x23e: {  	[sflag:s0] =	ssyncadd.tile.s32 @!p0 $0x1;
	_ =	shalt  }
.Lfunc_end2:
_tile_overlayer_lowered:
.L_overlay_start_2:
0x23f: {  	(tag) =	ssettag $0x2  }
0x240: {  	s0 =	rddreg [dreg:$0x0];
	s2 =	stileid.u32  }
0x241: {  	s1 =	rddreg [dreg:$0x1];
	p0 =	sne.s32 s2, $0x0  }
0x242: {  	s3 =	rddreg [dreg:$0x2];
	[bflag:$0x3] =	sbarrier.arrive $0xFFFF;
	s2 =	simm.s32 @!p0 $0x1C05  }
0x243: {  	[timem:s3], [sflag:s2] =	dma.local @!p0 [hbm:s0], s1  }
0x244: {  	s0 =	simm.s32 @!p0 $0x5  }
0x245: {  	_ =	swait.ge @!p0 [sflag:s0], s1  }
0x246: {  	s1 =	ssub.s32 @!p0 $0x0, s1;
	[sflag:s0] =	ssyncset.done @!p0 $0x0  }
0x247: {  	[sflag:s0] =	ssyncadd.s32 @!p0 s1  }
0x248: {  	[bflag:$0x3] =	sbarrier.arrive $0xFFFF  }
0x249: {  	_ =	shalt  }

// kernel: sparse-core-data-format-call.cloned.1.call-start
scs
called_computation_lowered:
.L_overlay_start_0:
0x0: {  	s2 =	sld [smem:$0x3FD9]  }
0x1: {  	s3 =	sld [smem:$0x3FFE];
	_ =	sdelay $0x1  }
0x2: {  	s1 =	srdreg.scid  }
0x3: {  	s0 =	sand.u32 $0x1, s1  }
0x4: {  	s16 =	sshll.u32 s0, $0xA;
	s2 =	sadd.s32 s3, s2  }
0x5: {  	s2 =	sadd.s32 s2, s16  }
0x6: {  	[smem:$0x3FC5] =	sst s2  }
0x7: {  	_ = 	snop  }
0x8: {  	s2 =	sld [smem:$0x3FD0];
	_ =	sdelay $0x2  }
0x9: {  	s4 =	simm.s32 $0xA;
	s5 =	simm.s32 $0x10;
	s17 =	sld [smem:$0x3FC8]  }
0xa: {  	[smem:s5], [sflag:s4] =	dma.local [hbm:s2], $0x1  }
0xb: {  	_ =	swait.eq [sflag:s4], $0x1  }
0xc: {  	[sflag:s4] =	ssyncset.done $0x0  }
0xd: {  	[sflag:s4] =	ssyncadd.s32 $0xFFFFFFFF  }
0xe: {  	s18 =	sld [smem:$0x11];
	(tm) =	ssettm $0x1  }
0xf: {  	s19 =	sld [smem:$0x3FFB];
	_ =	sdelay $0x3  }
0x10: {  	_ =	strace s19  }
0x11: {  	s4 =	sld [smem:$0x3FFC];
	_ =	sdelay $0x3  }
0x12: {  	_ =	strace s4  }
0x13: {  	s4 =	sld [smem:$0x3FFD];
	_ =	sdelay $0x3  }
0x14: {  	_ =	strace s4  }
0x15: {  	_ =	strace $0x8FFFFFFF  }
0x16: {  	s20 =	sld [smem:$0x3FDB];
	_ =	sdelay $0x1  }
0x17: {  	s21 =	simm.s32 $_scs_section_size  }
0x18: {  	s6 =	simm.s32 $_size__tile_overlayer_lowered;
	s7 =	simm.s32 $_tile_overlayer_lowered  }
0x19: {  	s24 =	simm.s32 $0x1BFF;
	s23 =	sshll.u32 s7, $0x1;
	s4 =	sadd.s32 s21, s20  }
0x1a: {  	s8 =	simm.s32 $0x0;
	s22 =	sshll.u32 s6, $0x1;
	s6 =	sadd.s32 s23, s4  }
0x1b: {  	[timem:s8], [sflag:s24] =	dma.local [hbm:s6], s22  }
0x1c: {  	_ =	swait.ge [sflag:s24], s22  }
0x1d: {  	s5 =	ssub.s32 $0x0, s22;
	[sflag:s24] =	ssyncset.done $0x0  }
0x1e: {  	[sflag:s24] =	ssyncadd.s32 s5;
	_ =	sdelay $0x1  }
0x1f: {  	s25 =	simm.s32 $0x1B8B  }
0x20: {  	_ =	swait.ge [sflag:s25], $0x1  }
0x21: {  	[sflag:s25] =	ssyncset.done $0x0  }
0x22: {  	s26 =	simm.s32 $0x1B8E;
	[sflag:s25] =	ssyncadd.s32 $0xFFFFFFFF  }
0x23: {  	s27 =	simm.s32 $execute0_lowered;
	[smem:$0x3FD2] =	sst s26  }
0x24: {  	s5 =	sshll.u32 s27, $0x1;
	_ =	strace $0x80000046;
	[dreg:$0x1] =	wrdreg $0xFFFFFFFF  }
0x25: {  	s28 =	simm.s32 $_size_execute0_lowered;
	s4 =	sadd.s32 s4, s5;
	[dreg:$0x0] =	wrdreg $0x0  }
0x26: {  	s5 =	sshll.u32 s28, $0x1;
	[dreg:$0x2] =	wrdreg s4  }
0x27: {  	[dreg:$0x3] =	wrdreg s5  }
0x28: {  	[dreg:$0x4] =	wrdreg $0xC0  }
0x29: {  	_ =	task [dreg:s8], $0x5FFFF  }
0x2a: {  	[dreg:$0x1] =	wrdreg $0xFFFFFFFF  }
0x2b: {  	[dreg:$0x0] =	wrdreg $0x60  }
0x2c: {  	[dreg:$0x2] =	wrdreg s17  }
0x2d: {  	[dreg:$0x3] =	wrdreg s18  }
0x2e: {  	[dreg:$0x4] =	wrdreg $0x9  }
0x2f: {  	_ =	task.clear_ibuf [dreg:s8], $0x5FFFF;
	_ =	strace $0x90000046  }
0x30: {  	s29 =	simm.s32 $0x9;
	_ =	strace $0x80000048  }
0x31: {  	_ =	swait.ge [sflag:s29], $0x1  }
0x32: {  	[sflag:s29] =	ssyncadd.s32 $0xFFFFFFFF  }
0x33: {  	_ =	strace $0x90000048  }
0x34: {  	_ =	sfence  }
0x35: {  	s30 =	sld [smem:$0x0];
	_ =	sdelay $0x2  }
0x36: {  	s31 =	sshll.u32 s1, $0xD;
	s1 =	sshrl.u32 s1, $0x2  }
0x37: {  	s3 =	sand.u32 $0x4000, s31;
	s1 =	sadd.s32 s1, s30  }
0x38: {  	s0 =	sor.u32 s3, s0;
	s1 =	sshll.u32 s1, $0x11  }
0x39: {  	s0 =	sor.u32 s1, s0  }
0x3a: {  	s0 =	sadd.s32 $0x8F2B, s0  }
0x3b: {  	[sflag:s0] =	ssyncadd.remote.s32 $0x1  }
0x3c: {  	_ =	sfence.sel $0xFFFF  }
0x3d: {  	[dreg:$0x0] =	wrdreg $0xFFFFFFFF;
	(pc) =	sbr.abs _section_cstart, $3  }
0x3e: {  	[dreg:$0x1] =	wrdreg $0xFFFFFFFF  }
0x3f: {  	_ =	task.clear_ibuf [dreg:s8], $0x2FFFF;
	_ =	strace $0x9FFFFFFF  }
0x40: {  	(tm) =	ssettm $0x7FFFFFFF  }
0x41: {  	_ =	shalt  }
tec
execute0_lowered:
.L_overlay_start_1:
0x0: {  	(tag) =	ssettag $0x1  }
0x1: {  	s0 =	stileid.u32  }
0x2: {  	s1 =	srdreg.scid;
	s7 =	rddreg [dreg:$0x0]  }
0x3: {  	s4 =	rddreg [dreg:$0x1];
	s31 =	simm.s32 $0x2;
	s10 =	simm.s32 $0x0  }
0x4: {  	s14 =	simm.s32 $0x0;
	s15 =	simm.s32 $0x0;
	s11 =	simm.s32 $0x0  }
0x5: {  	s13 =	simm.s32 $0x0;
	s2 =	sand.u32 $0x1, s1;
	s3 =	sshll.u32 s0, $0x7  }
0x6: {  	s1 =	rddreg [dreg:$0x2];
	s30 =	ssub.s32 $0xC300, s3;
	s5 =	ssub.s32 $0x2, s2  }
.Ltmp0:
0x7: {  	s6 =	sshrl.u32 s30, $0xB;
	s8 =	sshrl.u32 s5, $0x1;
	(pc) =	sbr.rel .LBB1_1-.Ltmp0, $4  }
0x8: {  	_ =	strace $0x80000047;
	s6 =	sadd.s32 $0x1, s6;
	s8 =	ssub.s32 s5, s8  }
0x9: {  	s9 =	sshll.u32 s2, $0x4;
	s5 =	simm.s32 $0x1;
	s6 =	smul.u32 s6, s8  }
0xa: {  	s12 =	smov.u32 s3;
	s7 =	sadd.s32 s7, s9;
	[sflag:s5] =	ssyncpa.u1 $0x0  }
0xb: {  	s9 =	simm.s32 $0x0;
	[sflag:s31] =	ssyncpa.u1 $0x0;
	s8 =	sadd.s32 $0x1, s6  }
.LBB1_4:
0xc: {  	s21 =	simm.s32 $0x0  }
.LBB1_8:
0xd: {  	_ =	sdelay $0x3  }
0xe: {  	v6 =	vld [tilespmem:s18+$0xFFFFFFC0];
	[tilespmem:v0+s20+$0x30 ss:$0x1] =	vst.idx.msk @p0 $0xffff, v2  }
0xf: {  	v58 =	vld [tilespmem:s18+$0xFFFFFFD0];
	[tilespmem:v0+s20+$0x40 ss:$0x1] =	vst.idx.msk @p0 $0xffff, v3;
	s21 =	sadd.s32 @p0 $0x80, s21  }
0x10: {  	v59 =	vld [tilespmem:s18+$0xFFFFFFE0];
	[tilespmem:v0+s20+$0x50 ss:$0x1] =	vst.idx.msk @p0 $0xffff, v5;
	s19 =	smov.u32 @p0 s21  }
0x11: {  	v60 =	vld [tilespmem:s18+$0xFFFFFFF0];
	[tilespmem:v0+s20+$0x60 ss:$0x1] =	vst.idx.msk @p0 $0xffff, v4;
	s19 =	sand.u32 $0x3F80, s19  }
0x12: {  	v61 =	vld [tilespmem:s18+$0x0];
	[tilespmem:v0+s19+$0x70 ss:$0x1] =	vst.idx.msk $0xffff, v1  }
0x13: {  	v62 =	vld [tilespmem:s18+$0x10];
	[tilespmem:v0+s19+$0x0 ss:$0x1] =	vst.idx.msk $0xffff, v6  }
0x14: {  	v63 =	vld [tilespmem:s18+$0x20];
	[tilespmem:v0+s19+$0x10 ss:$0x1] =	vst.idx.msk $0xffff, v58  }
0x15: {  	[tilespmem:v0+s19+$0x20 ss:$0x1] =	vst.idx.msk $0xffff, v59  }
0x16: {  	[tilespmem:v0+s19+$0x30 ss:$0x1] =	vst.idx.msk $0xffff, v60  }
0x17: {  	[tilespmem:v0+s19+$0x40 ss:$0x1] =	vst.idx.msk $0xffff, v61  }
0x18: {  	[tilespmem:v0+s19+$0x50 ss:$0x1] =	vst.idx.msk $0xffff, v62  }
0x19: {  	[tilespmem:v0+s19+$0x60 ss:$0x1] =	vst.idx.msk $0xffff, v63  }
.LBB1_9:
0x1a: {  	s18 =	sand.u32 $0x1FFFFFF, s11  }
0x1b: {  	s19 =	smulhi.u32 $0x14F8B59, s18;
	_ =	sdelay $0x1  }
0x1c: {  	s19 =	sshrl.u32 s19, $0x8  }
0x1d: {  	s19 =	smul.u32 $0xC350, s19  }
0x1e: {  	s15 =	smul.u32 $0xC3500, s15  }
0x1f: {  	s18 =	ssub.s32 s18, s19  }
0x20: {  	s15 =	sadd.s32 s4, s15;
	s18 =	sshll.u32 s18, $0x4  }
0x21: {  	s15 =	sadd.s32 s18, s15  }
0x22: {  	[hbm4b:s15+s9] =	stream.linear.scatter [tilespmem:s17], [sflag:$0x2], s16, $0x38;
	[tilespmem:$0x10000] =	vst v63  }
.LBB1_10:
0x23: {  	p0 =	slt.u32 s13, $0x2  }
0x24: {  	p1 =	sgt.s32 @!p0 s14, $0xC2D0  }
0x25: {  	s15 =	smov.u32 s14;
	s16 =	sshra.s32 @!p0 s14, $0x1F;
	p1 =	por !p1, p0  }
0x26: {  	s14 =	sand.u32 @!p0 s16, s14;
	s15 =	simm.s32 @p1 $0xC2D0  }
0x27: {  	s14 =	ssub.s32 @!p0 s15, s14  }
0x28: {  	s14 =	sadd.s32 @!p0 $0xFFFF3D30, s14  }
0x29: {  	s15 =	sshll.u32 @!p0 s14, $0x7  }
0x2a: {  	p1 =	sgt.s32 @!p0 s14, $0x7F;
	s14 =	ssub.s32 @!p0 $0x4000, s15  }
0x2b: {  	s16 =	sadd.s32 $0x800, s12;
	p1 =	por !p1, p0;
	s14 =	sand.u32 @!p0 $0x3FFFFF80, s14  }
0x2c: {  	s14 =	simm.s32 @!p1 $0x0;
	p1 =	sgt.s32 s16, $0xC34F  }
0x2d: {  	s16 =	smov.u32 @p1 s3;
	p1 =	sne.s32 s13, s8  }
.Ltmp1:
0x2e: {  	_ = 	snop;
	(pc) =	sbr.rel @!p1 .LBB1_11-.Ltmp1, $4  }
0x2f: {  	s10 =	sadd.s32 $0x4000, s10;
	s15 =	simm.s32 @!p0 $0x2  }
0x30: {  	_ =	swait.ge @!p0 [sflag:s15], s14;
	s17 =	ssub.s32 @!p0 $0x0, s14;
	s14 =	smov.u32 s11  }
0x31: {  	s13 =	sadd.s32 $0x1, s13;
	s11 =	smov.u32 s12;
	[sflag:s15] =	ssyncset.done @!p0 $0x0  }
0x32: {  	s12 =	smov.u32 s16;
	[sflag:s15] =	ssyncadd.s32 @!p0 s17;
	s15 =	smov.u32 s2  }
.LBB1_1:
0x33: {  	p0 =	sge.u32 s13, s6  }
0x34: {  	p1 =	sgt.s32 @!p0 s12, $0xC2D0  }
0x35: {  	s16 =	smov.u32 s12;
	s17 =	sshra.s32 @!p0 s12, $0x1F;
	p1 =	por !p1, p0  }
0x36: {  	s17 =	sand.u32 @!p0 s17, s12;
	s16 =	simm.s32 @p1 $0xC2D0  }
0x37: {  	s16 =	ssub.s32 @!p0 s16, s17  }
0x38: {  	s31 =	sadd.s32 $0xFFFFFFFF, s13;
	s18 =	sxor.u32 @!p0 $0xFFFFFFFF, s13;
	s16 =	sadd.s32 @!p0 $0xFFFF3D30, s16  }
0x39: {  	s19 =	simm.s32 @!p0 $0x80;
	s20 =	simm.s32 @!p0 $0x100;
	s17 =	sshll.u32 @!p0 s16, $0x7  }
0x3a: {  	p1 =	sgt.s32 @!p0 s16, $0x7F;
	s16 =	ssub.s32 @!p0 $0x4000, s17;
	s17 =	sshll.u32 @!p0 s18, $0xE  }
0x3b: {  	p1 =	por !p1, p0;
	s18 =	sshll.u32 @!p0 s12, $0x5;
	s16 =	sand.u32 @!p0 $0x3FFFFF80, s16  }
0x3c: {  	s17 =	sand.u32 @!p0 $0x4000, s17;
	s18 =	sadd.s32 @!p0 s18, s7;
	s16 =	simm.s32 @!p1 $0x0  }
0x3d: {  	[tilespmem:s17], [sflag:$0x1] =	stream.strided.gather @!p0 [hbm4b:s18+s19], s16, s20, s19, $0x38;
	[tilespmem:$0x10000] =	vst v63  }
0x3e: {  	p0 =	sge.u32 s31, s6  }
.Ltmp2:
0x3f: {  	_ = 	snop;
	(pc) =	sbr.rel @p0 .LBB1_10-.Ltmp2, $1  }
0x40: {  	_ =	sdelay $0x3  }
0x41: {  	p0 =	sgt.s32 s11, $0xC2D0;
	s16 =	smov.u32 s11;
	s17 =	sshra.s32 s11, $0x1F  }
0x42: {  	s16 =	simm.s32 @!p0 $0xC2D0;
	s17 =	sand.u32 s17, s11  }
0x43: {  	s16 =	ssub.s32 s16, s17  }
0x44: {  	s16 =	sadd.s32 $0xFFFF3D30, s16  }
0x45: {  	s30 =	sshll.u32 s16, $0x7  }
0x46: {  	s17 =	ssub.s32 $0x4000, s30  }
0x47: {  	p0 =	sgt.s32 s16, $0x7F;
	s16 =	sand.u32 $0x3FFFFF80, s17;
	s17 =	sadd.s32 $0x80, s11  }
0x48: {  	s16 =	simm.s32 @p0 $0x0;
	p0 =	slt.s32 s17, $0xC350  }
0x49: {  	s17 =	simm.s32 @!p0 $0xC350  }
0x4a: {  	s20 =	ssub.s32 s17, s11  }
0x4b: {  	p0 =	slt.s32 s20, $0x1  }
.Ltmp3:
0x4c: {  	_ = 	snop;
	(pc) =	sbr.rel @p0 .LBB1_9-.Ltmp3, $4  }
0x4d: {  	_ = 	snop  }
0x4e: {  	s19 =	sshll.u32 s13, $0xE;
	_ =	swait.ge [sflag:s5], s16  }
0x4f: {  	s31 =	sand.u32 $0x4000, s19;
	s18 =	ssub.s32 $0x0, s16;
	[sflag:s5] =	ssyncset.done $0x0  }
0x50: {  	s17 =	sor.u32 $0x8000, s31;
	[sflag:s5] =	ssyncadd.s32 s18  }
0x51: {  	p1 =	sne.s32 s20, $0x1  }
.Ltmp4:
0x52: {  	v0 =	vmov s17;
	(pc) =	sbr.rel @!p1 .LBB1_4-.Ltmp4, $4  }
0x53: {  	_ = 	snop  }
0x54: {  	s18 =	sand.u32 $0x4000, s10  }
0x55: {  	s18 =	sor.u32 $0x40, s18  }
0x56: {  	s19 =	simm.s32 $0x0;
	s21 =	sadd.s32 $0xFFFFFFFF, s20;
	p0 =	por $0x0, $0x0;
	v1 =	vld [tilespmem:s18+$0x30]  }
0x57: {  	v4 =	vld [tilespmem:s18+$0xFFFFFFC0]  }
0x58: {  	v6 =	vld [tilespmem:s18+$0xFFFFFFD0]  }
0x59: {  	v7 =	vld [tilespmem:s18+$0xFFFFFFE0];
	p1 =	sne.s32 s21, $0x1  }
.Ltmp5:
0x5a: {  	v2 =	vld [tilespmem:s18+$0xFFFFFFF0];
	s20 =	sand.u32 $0x3F80, s19;
	(pc) =	sbr.rel @!p1 .LBB1_6-.Ltmp5, $4  }
0x5b: {  	v3 =	vld [tilespmem:s18+$0x0];
	[tilespmem:v0+s20+$0x70 ss:$0x1] =	vst.idx.msk $0xffff, v1  }
0x5c: {  	v5 =	vld [tilespmem:s18+$0x10];
	[tilespmem:v0+s20+$0x0 ss:$0x1] =	vst.idx.msk $0xffff, v4  }
0x5d: {  	v4 =	vld [tilespmem:s18+$0x20];
	[tilespmem:v0+s20+$0x10 ss:$0x1] =	vst.idx.msk $0xffff, v6;
	s18 =	sadd.s32 $0x80, s18  }
0x5e: {  	s22 =	sadd.s32 $0xFFFFFFFF, s21;
	p0 =	por $0x1, $0x1;
	s21 =	simm.s32 $0x0;
	[tilespmem:v0+s20+$0x20 ss:$0x1] =	vst.idx.msk $0xffff, v7;
	v1 =	vld [tilespmem:s18+$0x30]  }
.LBB1_7:
0x5f: {  	p1 =	sne.s32 s22, $0x1;
	v6 =	vld [tilespmem:s18+$0xFFFFFFC0];
	[tilespmem:v0+s20+$0x30 ss:$0x1] =	vst.idx.msk $0xffff, v2  }
0x60: {  	v7 =	vld [tilespmem:s18+$0xFFFFFFD0];
	[tilespmem:v0+s20+$0x40 ss:$0x1] =	vst.idx.msk $0xffff, v3  }
0x61: {  	s21 =	sadd.s32 $0x80, s21;
	v8 =	vld [tilespmem:s18+$0xFFFFFFE0];
	[tilespmem:v0+s20+$0x50 ss:$0x1] =	vst.idx.msk $0xffff, v5  }
.Ltmp6:
0x62: {  	v2 =	vld [tilespmem:s18+$0xFFFFFFF0];
	[tilespmem:v0+s20+$0x60 ss:$0x1] =	vst.idx.msk $0xffff, v4;
	s20 =	sand.u32 $0x3F80, s21;
	(pc) =	sbr.rel @p1 .LBB1_7-.Ltmp6, $4  }
0x63: {  	v3 =	vld [tilespmem:s18+$0x0];
	[tilespmem:v0+s20+$0x70 ss:$0x1] =	vst.idx.msk $0xffff, v1  }
0x64: {  	[tilespmem:v0+s20+$0x0 ss:$0x1] =	vst.idx.msk $0xffff, v6;
	v5 =	vld [tilespmem:s18+$0x10]  }
0x65: {  	[tilespmem:v0+s20+$0x10 ss:$0x1] =	vst.idx.msk $0xffff, v7;
	v4 =	vld [tilespmem:s18+$0x20];
	s18 =	sadd.s32 $0x80, s18  }
0x66: {  	s22 =	sadd.s32 $0xFFFFFFFF, s22;
	v1 =	vld [tilespmem:s18+$0x30];
	[tilespmem:v0+s20+$0x20 ss:$0x1] =	vst.idx.msk $0xffff, v8  }
.Ltmp7:
0x67: {  	_ = 	snop;
	(pc) =	sbr.rel .LBB1_8-.Ltmp7, $1  }
0x68: {  	_ =	sdelay $0x3  }
.LBB1_6:
.Ltmp8:
0x69: {  	(pc) =	sbr.rel .LBB1_8-.Ltmp8, $2  }
0x6a: {  	_ =	sdelay $0x2  }
0x6b: {  	s21 =	simm.s32 $0x0  }
.LBB1_11:
0x6c: {  	_ =	sfence.sel $0x180000  }
0x6d: {  	s2 =	simm.s32 $0x1;
	[bflag:$0x0] =	sbarrier.arrive $0xFFFF  }
0x6e: {  	s31 =	simm.s32 $0x2;
	[sflag:s2] =	ssyncpa.u1 $0x1  }
0x6f: {  	[sflag:s31] =	ssyncpa.u1 $0x1  }
0x70: {  	p0 =	sne.s32 s0, $0x0;
	_ =	strace $0x90000047  }
0x71: {  	s0 =	sadd.s32 @!p0 $0x100000, s1;
	[bflag:$0x2] =	sbarrier.arrive $0xFFFF  }
0x72: {  	[sflag:s0] =	ssyncadd.tile.s32 @!p0 $0x1;
	_ =	shalt  }
.Lfunc_end1:
_tile_overlayer_lowered:
.L_overlay_start_2:
0x73: {  	(tag) =	ssettag $0x2  }
0x74: {  	s0 =	rddreg [dreg:$0x0];
	s2 =	stileid.u32  }
0x75: {  	s1 =	rddreg [dreg:$0x1];
	p0 =	sne.s32 s2, $0x0  }
0x76: {  	s3 =	rddreg [dreg:$0x2];
	[bflag:$0x3] =	sbarrier.arrive $0xFFFF;
	s2 =	simm.s32 @!p0 $0x1C01  }
0x77: {  	[timem:s3], [sflag:s2] =	dma.local @!p0 [hbm:s0], s1  }
0x78: {  	s0 =	simm.s32 @!p0 $0x1  }
0x79: {  	_ =	swait.ge @!p0 [sflag:s0], s1  }
0x7a: {  	s1 =	ssub.s32 @!p0 $0x0, s1;
	[sflag:s0] =	ssyncset.done @!p0 $0x0  }
0x7b: {  	[sflag:s0] =	ssyncadd.s32 @!p0 s1  }
0x7c: {  	[bflag:$0x3] =	sbarrier.arrive $0xFFFF  }
0x7d: {  	_ =	shalt  }

</sc_bundles>
